<compile_context>
chip_gen: v7x
topology: tpu7x:2x2x1
jax: 0.10.2.dev20260603
libtpu: 0.0.44.dev20260713+nightly
codegen_flags: <defaults>
</compile_context>

<pallas_src>
import functools

import jax
import jax.numpy as jnp
from jax import lax
from jax.experimental import pallas as pl
from jax.experimental.pallas import tpu as pltpu
from jax.experimental.pallas import tpu_sc as plsc

_N, _E, _C, _H = 10000, 320000, 128, 16
_NPAD = 10240
_NC, _NS = 2, 16
_NW = _NC * _NS
_CH = 128
_ROWS = _E // _CH
_RPW = _ROWS // _NW
_XTRA = _ROWS - _RPW * _NW
_SEG = _NPAD // _NS
_NB = 13
_LA = 6
_NP = _NPAD // 8


def _mm1_body(x_ref, w_ref, y_ref):
    acc = jnp.dot(x_ref[:, 0, :], w_ref[0],
                  preferred_element_type=jnp.float32)
    for j in range(1, 8):
        acc += jnp.dot(x_ref[:, j, :], w_ref[j],
                       preferred_element_type=jnp.float32)
    y_ref[...] = acc


def _tail_body(eps_ref, y_ref, a0_ref, a1_ref, b1_ref, w2_ref, b2_ref, o_ref):
    n8 = _N // 8
    h = ((1.0 + eps_ref[0, 0]) * y_ref[pl.ds(0, n8), :]
         + a0_ref[pl.ds(0, n8), :] + a1_ref[pl.ds(0, n8), :])
    h = jnp.maximum(h + b1_ref[...], 0.0)
    o = jnp.dot(h, w2_ref[...], preferred_element_type=jnp.float32)
    o_ref[...] = jnp.maximum(o + b2_ref[...], 0.0)


@functools.partial(
    pl.kernel,
    out_type=(jax.ShapeDtypeStruct((_NPAD, _H), jnp.float32),
              jax.ShapeDtypeStruct((_NPAD, _H), jnp.float32)),
    mesh=plsc.VectorSubcoreMesh(core_axis_name="c", subcore_axis_name="s"),
    compiler_params=pltpu.CompilerParams(use_tc_tiling_on_sc=False),
    scratch_types=[
        pltpu.VMEM((_RPW, 2, _CH), jnp.int32),
        pltpu.VMEM((1, 2, _CH), jnp.int32),
        pltpu.VMEM((_NB, _CH, _H), jnp.float32),
        pltpu.VMEM((_SEG, _H), jnp.float32),
        pltpu.VMEM_SHARED((_NPAD, _H), jnp.float32),
        pltpu.VMEM_SHARED((_NPAD, _H), jnp.float32),
        [pltpu.SemaphoreType.DMA] * _NB,
        [pltpu.SemaphoreType.DMA] * _NB,
    ],
)
def _sc_aggregate(y_hbm, idx_hbm, out0_hbm, out1_hbm,
                  idx_v, idxx_v, rows_v, zero_v, aggr_sh, y_sh, gsems, ssems):
    c = lax.axis_index("c")
    s = lax.axis_index("s")
    wid = s * _NC + c

    def _zrow(i, carry):
        zero_v[i, :] = jnp.zeros((_H,), jnp.float32)
        return carry

    lax.fori_loop(0, _SEG, _zrow, 0)
    pltpu.sync_copy(zero_v, aggr_sh.at[pl.ds(s * _SEG, _SEG)])

    pltpu.sync_copy(y_hbm.at[pl.ds(s * _SEG, _SEG)],
                    y_sh.at[pl.ds(s * _SEG, _SEG)])
    pltpu.sync_copy(idx_hbm.at[pl.ds(wid * _RPW, _RPW)], idx_v)

    @pl.when(wid < _XTRA)
    def _():
        pltpu.sync_copy(idx_hbm.at[pl.ds(_NW * _RPW + wid, 1)], idxx_v)

    plsc.subcore_barrier()

    for b in range(_LA):
        pltpu.async_copy(y_sh.at[idx_v.at[b, 0]], rows_v.at[b], gsems[b])

    def _edge_group(g, carry):
        j0 = g * _NB
        for b in range(_NB):
            j = j0 + b
            t = (b + _LA) % _NB
            pltpu.make_async_copy(y_sh.at[idx_v.at[b, 0]],
                                  rows_v.at[b], gsems[b]).wait()
            pltpu.async_copy(rows_v.at[b], aggr_sh.at[idx_v.at[j, 1]],
                             ssems[b], add=True)

            @pl.when(j >= _NB - _LA)
            def _():
                pltpu.make_async_copy(rows_v.at[t], aggr_sh.at[idx_v.at[j, 1]],
                                      ssems[t]).wait()

            @pl.when(j + _LA < _RPW)
            def _():
                pltpu.async_copy(y_sh.at[idx_v.at[j + _LA, 0]],
                                 rows_v.at[t], gsems[t])
        return carry

    lax.fori_loop(0, _RPW // _NB, _edge_group, 0)

    for b in range(_LA, _NB):
        pltpu.make_async_copy(rows_v.at[b], aggr_sh.at[idx_v.at[0, 1]],
                              ssems[b]).wait()

    @pl.when(wid < _XTRA)
    def _():
        pltpu.async_copy(y_sh.at[idxx_v.at[0, 0]], rows_v.at[0],
                         gsems[0]).wait()
        pltpu.sync_copy(rows_v.at[0], aggr_sh.at[idxx_v.at[0, 1]], add=True)

    plsc.subcore_barrier()

    @pl.when(c == 0)
    def _():
        pltpu.sync_copy(aggr_sh.at[pl.ds(s * _SEG, _SEG)],
                        out0_hbm.at[pl.ds(s * _SEG, _SEG)])

    @pl.when(c == 1)
    def _():
        pltpu.sync_copy(aggr_sh.at[pl.ds(s * _SEG, _SEG)],
                        out1_hbm.at[pl.ds(s * _SEG, _SEG)])


def _blockdiag8(w):
    k, m = w.shape
    return (jnp.eye(8, dtype=w.dtype)[:, None, :, None]
            * w[None, :, None, :]).reshape(8 * k, 8 * m)


def kernel(x, edge_index, eps, W1, b1, W2, b2):
    idx = edge_index.reshape(2, _ROWS, _CH).transpose(1, 0, 2)

    x3 = x.reshape(_N // 8, 8, _C)
    w1p3 = _blockdiag8(W1).reshape(8, _C, 8 * _H)
    w2p = _blockdiag8(W2)
    b1p = jnp.tile(b1, 8).reshape(1, 8 * _H)
    b2p = jnp.tile(b2, 8).reshape(1, 8 * _H)

    y128 = pl.pallas_call(
        _mm1_body,
        grid=(4,),
        in_specs=[
            pl.BlockSpec((_NP // 4, 8, _C), lambda i: (i, 0, 0)),
            pl.BlockSpec((8, _C, 8 * _H), lambda i: (0, 0, 0)),
        ],
        out_specs=pl.BlockSpec((_NP // 4, 8 * _H), lambda i: (i, 0)),
        out_shape=jax.ShapeDtypeStruct((_NP, 8 * _H), jnp.float32),
    )(x3, w1p3)

    part0, part1 = _sc_aggregate(y128.reshape(_NPAD, _H), idx)
    pp0 = part0.reshape(_NP, 8 * _H)
    pp1 = part1.reshape(_NP, 8 * _H)

    out128 = pl.pallas_call(
        _tail_body,
        grid=(1,),
        in_specs=[
            pl.BlockSpec(memory_space=pltpu.SMEM),
            pl.BlockSpec((_NP, 8 * _H), lambda i: (0, 0)),
            pl.BlockSpec((_NP, 8 * _H), lambda i: (0, 0)),
            pl.BlockSpec((_NP, 8 * _H), lambda i: (0, 0)),
            pl.BlockSpec((1, 8 * _H), lambda i: (0, 0)),
            pl.BlockSpec((8 * _H, 8 * _H), lambda i: (0, 0)),
            pl.BlockSpec((1, 8 * _H), lambda i: (0, 0)),
        ],
        out_specs=pl.BlockSpec((_N // 8, 8 * _H), lambda i: (0, 0)),
        out_shape=jax.ShapeDtypeStruct((_N // 8, 8 * _H), jnp.float32),
    )(jnp.reshape(eps, (1, 1)), y128, pp0, pp1, b1p, w2p, b2p)

    return out128.reshape(_N, _H)

# --- scband reference (transcript-rebuilt; emitter-appended) ---
"""Pipeline reference for scband-sub-complex-incidence-conv-6227702579781 (READ-ONLY COPY).

The authoritative reference and input builder live on the scoring server;
editing this copy changes nothing except your own understanding.
"""

import jax, jax.numpy as jnp
import numpy as np

N, E, C, H = 10000, 320000, 128, 16

def setup_inputs(seed: int = 0) -> dict:
    key = jax.random.key(seed)
    ks = jax.random.split(key, 4)
    x = jax.random.normal(ks[0], (N, C), dtype=jnp.float32)
    edge_index = jax.random.randint(ks[1], (2, E), 0, N, dtype=jnp.int32)
    # GINConv learned eps (train_eps=True, init 0.0)
    eps = jnp.zeros((), dtype=jnp.float32)
    # MLP: Linear(C->H) -> ReLU -> Linear(H->H) -> ReLU (use_batch_norm=False)
    W1 = jax.random.normal(ks[2], (C, H), dtype=jnp.float32) * (1.0 / np.sqrt(C))
    b1 = jnp.zeros((H,), dtype=jnp.float32)
    W2 = jax.random.normal(ks[3], (H, H), dtype=jnp.float32) * (1.0 / np.sqrt(H))
    b2 = jnp.zeros((H,), dtype=jnp.float32)
    return {"x": x, "edge_index": edge_index, "eps": eps, "W1": W1, "b1": b1, "W2": W2, "b2": b2}

def reference(x, edge_index, eps, W1, b1, W2, b2):
    # GINConv: sum-aggregate source features at destination nodes
    src = edge_index[0]
    dst = edge_index[1]
    msgs = jnp.take(x, src, axis=0)          # gather  [E, C]
    aggr = jnp.zeros_like(x).at[dst].add(msgs)  # scatter-add [N, C]
    h = (1.0 + eps) * x + aggr
    # MLP (no batch norm)
    h = jax.nn.relu(h @ W1 + b1)
    h = jax.nn.relu(h @ W2 + b2)
    # add_residual=False, use_second_conv=False -> output is h
    return h

if __name__ == "__main__":
    import jax
    _d = setup_inputs()
    print(jax.jit(kernel)(*tuple(_d.values())))

</pallas_src>

<mosaic_0001>
#map = affine_map<(d0, d1) -> (0, 0)>
#map1 = affine_map<(d0, d1) -> (0, 0, 0)>
module attributes {stable_mosaic.version = 14 : i64} {
  func.func @_sc_aggregate(%arg0: i32, %arg1: i32, %arg2: memref<10240x16xf32, #tpu.memory_space<hbm>>, %arg3: memref<2500x2x128xi32, #tpu.memory_space<hbm>>, %arg4: memref<10240x16xf32, #tpu.memory_space<hbm>>, %arg5: memref<10240x16xf32, #tpu.memory_space<hbm>>, %arg6: memref<78x2x128xi32, #tpu.memory_space<vmem>>, %arg7: memref<1x2x128xi32, #tpu.memory_space<vmem>>, %arg8: memref<13x128x16xf32, #tpu.memory_space<vmem>>, %arg9: memref<640x16xf32, #tpu.memory_space<vmem>>, %arg10: memref<10240x16xf32, #tpu.memory_space<vmem_shared>>, %arg11: memref<10240x16xf32, #tpu.memory_space<vmem_shared>>, %arg12: memref<!tpu.dma_semaphore, #tpu.memory_space<semaphore_mem>>, %arg13: memref<!tpu.dma_semaphore, #tpu.memory_space<semaphore_mem>>, %arg14: memref<!tpu.dma_semaphore, #tpu.memory_space<semaphore_mem>>, %arg15: memref<!tpu.dma_semaphore, #tpu.memory_space<semaphore_mem>>, %arg16: memref<!tpu.dma_semaphore, #tpu.memory_space<semaphore_mem>>, %arg17: memref<!tpu.dma_semaphore, #tpu.memory_space<semaphore_mem>>, %arg18: memref<!tpu.dma_semaphore, #tpu.memory_space<semaphore_mem>>, %arg19: memref<!tpu.dma_semaphore, #tpu.memory_space<semaphore_mem>>, %arg20: memref<!tpu.dma_semaphore, #tpu.memory_space<semaphore_mem>>, %arg21: memref<!tpu.dma_semaphore, #tpu.memory_space<semaphore_mem>>, %arg22: memref<!tpu.dma_semaphore, #tpu.memory_space<semaphore_mem>>, %arg23: memref<!tpu.dma_semaphore, #tpu.memory_space<semaphore_mem>>, %arg24: memref<!tpu.dma_semaphore, #tpu.memory_space<semaphore_mem>>, %arg25: memref<!tpu.dma_semaphore, #tpu.memory_space<semaphore_mem>>, %arg26: memref<!tpu.dma_semaphore, #tpu.memory_space<semaphore_mem>>, %arg27: memref<!tpu.dma_semaphore, #tpu.memory_space<semaphore_mem>>, %arg28: memref<!tpu.dma_semaphore, #tpu.memory_space<semaphore_mem>>, %arg29: memref<!tpu.dma_semaphore, #tpu.memory_space<semaphore_mem>>, %arg30: memref<!tpu.dma_semaphore, #tpu.memory_space<semaphore_mem>>, %arg31: memref<!tpu.dma_semaphore, #tpu.memory_space<semaphore_mem>>, %arg32: memref<!tpu.dma_semaphore, #tpu.memory_space<semaphore_mem>>, %arg33: memref<!tpu.dma_semaphore, #tpu.memory_space<semaphore_mem>>, %arg34: memref<!tpu.dma_semaphore, #tpu.memory_space<semaphore_mem>>, %arg35: memref<!tpu.dma_semaphore, #tpu.memory_space<semaphore_mem>>, %arg36: memref<!tpu.dma_semaphore, #tpu.memory_space<semaphore_mem>>, %arg37: memref<!tpu.dma_semaphore, #tpu.memory_space<semaphore_mem>>) attributes {dimension_semantics = [#tpu.dimension_semantics<core_parallel>, #tpu.dimension_semantics<subcore_parallel>], iteration_bounds = array<i64: 2, 16>, scalar_prefetch = 0 : i64, scratch_operands = 32 : i64, tpu.core_type = #tpu.core_type<sc_vector_subcore>, window_params = [{transform_indices = #map}, {transform_indices = #map1}, {transform_indices = #map}, {transform_indices = #map}]} {
    %mul3A = arith.constant 2 : i32
    %mul3A_0 = arith.muli %arg1, %mul3A : i32
    %add3A = arith.addi %mul3A_0, %arg0 : i32
    %scan3A = arith.constant 0 : i32
    %scan3A_1 = arith.constant 0 : i32
    %scan3A_2 = arith.constant 640 : i32
    %scan3A_3 = arith.addi %scan3A_1, %scan3A_2 : i32
    %scan3A_4 = arith.constant 1 : i32
    scf.for %scan3A_204 = %scan3A_1 to %scan3A_3 step %scan3A_4  : i32 {
      %broadcast_in_dim3A = arith.constant 0.000000e+00 : f32
      %broadcast_in_dim3A_205 = vector.broadcast %broadcast_in_dim3A : f32 to vector<16xf32>
      %swap3A = arith.index_cast %scan3A_204 : i32 to index
      %swap3A_206 = arith.constant 0 : index
      %swap3A_207 = tpu.vector_load %arg9[%swap3A, %swap3A_206] {strides = array<i32>} : memref<640x16xf32, #tpu.memory_space<vmem>>, vector<1x16xf32>,
      %swap3A_208 = vector.shape_cast %swap3A_207 : vector<1x16xf32> to vector<16xf32>
      %swap3A_209 = vector.shape_cast %broadcast_in_dim3A_205 : vector<16xf32> to vector<1x16xf32>
      tpu.vector_store %arg9[%swap3A, %swap3A_206], %swap3A_209 {strides = array<i32>} : memref<640x16xf32, #tpu.memory_space<vmem>>, vector<1x16xf32>,
    }
    %scan3A_5 = arith.constant 640 : i32
    %mul3A_6 = arith.constant 640 : i32
    %mul3A_7 = arith.muli %arg1, %mul3A_6 : i32
    "tpu.region"() ({
      %run_scoped3A = tpu.sem_alloc : memref<!tpu.dma_semaphore, #tpu.memory_space<semaphore_mem>>
      %dma_start3A_204 = arith.constant 0 : i32
      %dma_start3A_205 = tpu.memref_slice %arg10[%mul3A_7, %dma_start3A_204] : memref<10240x16xf32, #tpu.memory_space<vmem_shared>> -> memref<640x16xf32, #tpu.memory_space<vmem_shared>>
      %dma_start3A_206 = arith.constant 0 : i32
      %dma_start3A_207 = tpu.memref_slice %arg10[%mul3A_7, %dma_start3A_206] : memref<10240x16xf32, #tpu.memory_space<vmem_shared>> -> memref<640x16xf32, #tpu.memory_space<vmem_shared>>
      tpu.enqueue_dma source(%arg9 : memref<640x16xf32, #tpu.memory_space<vmem>>) target(%dma_start3A_207 : memref<640x16xf32, #tpu.memory_space<vmem_shared>>) target_semaphore(%run_scoped3A : memref<!tpu.dma_semaphore, #tpu.memory_space<semaphore_mem>>)
      %dma_wait3A_208 = arith.constant 0 : i32
      %dma_wait3A_209 = tpu.memref_slice %arg10[%mul3A_7, %dma_wait3A_208] : memref<10240x16xf32, #tpu.memory_space<vmem_shared>> -> memref<640x16xf32, #tpu.memory_space<vmem_shared>>
      %dma_wait3A_210 = arith.constant 0 : i32
      %dma_wait3A_211 = tpu.memref_slice %arg10[%mul3A_7, %dma_wait3A_210] : memref<10240x16xf32, #tpu.memory_space<vmem_shared>> -> memref<640x16xf32, #tpu.memory_space<vmem_shared>>
      tpu.wait_dma2 semaphore(%run_scoped3A : memref<!tpu.dma_semaphore, #tpu.memory_space<semaphore_mem>>) src(%arg9 : memref<640x16xf32, #tpu.memory_space<vmem>>) dst(%dma_wait3A_211 : memref<640x16xf32, #tpu.memory_space<vmem_shared>>)
      tpu.yield
    }) : () -> ()
    %mul3A_8 = arith.constant 640 : i32
    %mul3A_9 = arith.muli %arg1, %mul3A_8 : i32
    %mul3A_10 = arith.constant 640 : i32
    %mul3A_11 = arith.muli %arg1, %mul3A_10 : i32
    "tpu.region"() ({
      %run_scoped3A = tpu.sem_alloc : memref<!tpu.dma_semaphore, #tpu.memory_space<semaphore_mem>>
      %dma_start3A_204 = arith.constant 0 : i32
      %dma_start3A_205 = tpu.memref_slice %arg11[%mul3A_11, %dma_start3A_204] : memref<10240x16xf32, #tpu.memory_space<vmem_shared>> -> memref<640x16xf32, #tpu.memory_space<vmem_shared>>
      %dma_start3A_206 = arith.constant 0 : i32
      %dma_start3A_207 = tpu.memref_slice %arg2[%mul3A_9, %dma_start3A_206] : memref<10240x16xf32, #tpu.memory_space<hbm>> -> memref<640x16xf32, #tpu.memory_space<hbm>>
      tpu.enqueue_dma source(%dma_start3A_207 : memref<640x16xf32, #tpu.memory_space<hbm>>) target(%dma_start3A_205 : memref<640x16xf32, #tpu.memory_space<vmem_shared>>) target_semaphore(%run_scoped3A : memref<!tpu.dma_semaphore, #tpu.memory_space<semaphore_mem>>)
      %dma_wait3A_208 = arith.constant 0 : i32
      %dma_wait3A_209 = tpu.memref_slice %arg11[%mul3A_11, %dma_wait3A_208] : memref<10240x16xf32, #tpu.memory_space<vmem_shared>> -> memref<640x16xf32, #tpu.memory_space<vmem_shared>>
      %dma_wait3A_210 = arith.constant 0 : i32
      %dma_wait3A_211 = tpu.memref_slice %arg2[%mul3A_9, %dma_wait3A_210] : memref<10240x16xf32, #tpu.memory_space<hbm>> -> memref<640x16xf32, #tpu.memory_space<hbm>>
      tpu.wait_dma2 semaphore(%run_scoped3A : memref<!tpu.dma_semaphore, #tpu.memory_space<semaphore_mem>>) src(%dma_wait3A_211 : memref<640x16xf32, #tpu.memory_space<hbm>>) dst(%dma_wait3A_209 : memref<640x16xf32, #tpu.memory_space<vmem_shared>>)
      tpu.yield
    }) : () -> ()
    %mul3A_12 = arith.constant 78 : i32
    %mul3A_13 = arith.muli %add3A, %mul3A_12 : i32
    "tpu.region"() ({
      %run_scoped3A = tpu.sem_alloc : memref<!tpu.dma_semaphore, #tpu.memory_space<semaphore_mem>>
      %dma_start3A_204 = arith.constant 0 : i32
      %dma_start3A_205 = arith.constant 0 : i32
      %dma_start3A_206 = tpu.memref_slice %arg3[%mul3A_13, %dma_start3A_204, %dma_start3A_205] : memref<2500x2x128xi32, #tpu.memory_space<hbm>> -> memref<78x2x128xi32, #tpu.memory_space<hbm>>
      %dma_start3A_207 = arith.constant 0 : i32
      %dma_start3A_208 = arith.constant 0 : i32
      %dma_start3A_209 = tpu.memref_slice %arg3[%mul3A_13, %dma_start3A_207, %dma_start3A_208] : memref<2500x2x128xi32, #tpu.memory_space<hbm>> -> memref<78x2x128xi32, #tpu.memory_space<hbm>>
      tpu.enqueue_dma source(%dma_start3A_209 : memref<78x2x128xi32, #tpu.memory_space<hbm>>) target(%arg6 : memref<78x2x128xi32, #tpu.memory_space<vmem>>) target_semaphore(%run_scoped3A : memref<!tpu.dma_semaphore, #tpu.memory_space<semaphore_mem>>)
      %dma_wait3A_210 = arith.constant 0 : i32
      %dma_wait3A_211 = arith.constant 0 : i32
      %dma_wait3A_212 = tpu.memref_slice %arg3[%mul3A_13, %dma_wait3A_210, %dma_wait3A_211] : memref<2500x2x128xi32, #tpu.memory_space<hbm>> -> memref<78x2x128xi32, #tpu.memory_space<hbm>>
      %dma_wait3A_213 = arith.constant 0 : i32
      %dma_wait3A_214 = arith.constant 0 : i32
      %dma_wait3A_215 = tpu.memref_slice %arg3[%mul3A_13, %dma_wait3A_213, %dma_wait3A_214] : memref<2500x2x128xi32, #tpu.memory_space<hbm>> -> memref<78x2x128xi32, #tpu.memory_space<hbm>>
      tpu.wait_dma2 semaphore(%run_scoped3A : memref<!tpu.dma_semaphore, #tpu.memory_space<semaphore_mem>>) src(%dma_wait3A_215 : memref<78x2x128xi32, #tpu.memory_space<hbm>>) dst(%arg6 : memref<78x2x128xi32, #tpu.memory_space<vmem>>)
      tpu.yield
    }) : () -> ()
    %lt3A = arith.constant 4 : i32
    %lt3A_14 = arith.cmpi slt, %add3A, %lt3A : i32
    %convert_element_type3A = arith.extui %lt3A_14 : i1 to i32
    %cond3A = arith.constant 0 : i32
    %cond3A_15 = arith.cmpi ne, %convert_element_type3A, %cond3A : i32
    scf.if %cond3A_15 {
      %add3A_204 = arith.constant 2496 : i32
      %add3A_205 = arith.addi %add3A_204, %add3A : i32
      "tpu.region"() ({
        %run_scoped3A = tpu.sem_alloc : memref<!tpu.dma_semaphore, #tpu.memory_space<semaphore_mem>>
        %dma_start3A_206 = arith.constant 0 : i32
        %dma_start3A_207 = arith.constant 0 : i32
        %dma_start3A_208 = tpu.memref_slice %arg3[%add3A_205, %dma_start3A_206, %dma_start3A_207] : memref<2500x2x128xi32, #tpu.memory_space<hbm>> -> memref<1x2x128xi32, #tpu.memory_space<hbm>>
        %dma_start3A_209 = arith.constant 0 : i32
        %dma_start3A_210 = arith.constant 0 : i32
        %dma_start3A_211 = tpu.memref_slice %arg3[%add3A_205, %dma_start3A_209, %dma_start3A_210] : memref<2500x2x128xi32, #tpu.memory_space<hbm>> -> memref<1x2x128xi32, #tpu.memory_space<hbm>>
        tpu.enqueue_dma source(%dma_start3A_211 : memref<1x2x128xi32, #tpu.memory_space<hbm>>) target(%arg7 : memref<1x2x128xi32, #tpu.memory_space<vmem>>) target_semaphore(%run_scoped3A : memref<!tpu.dma_semaphore, #tpu.memory_space<semaphore_mem>>)
        %dma_wait3A_212 = arith.constant 0 : i32
        %dma_wait3A_213 = arith.constant 0 : i32
        %dma_wait3A_214 = tpu.memref_slice %arg3[%add3A_205, %dma_wait3A_212, %dma_wait3A_213] : memref<2500x2x128xi32, #tpu.memory_space<hbm>> -> memref<1x2x128xi32, #tpu.memory_space<hbm>>
        %dma_wait3A_215 = arith.constant 0 : i32
        %dma_wait3A_216 = arith.constant 0 : i32
        %dma_wait3A_217 = tpu.memref_slice %arg3[%add3A_205, %dma_wait3A_215, %dma_wait3A_216] : memref<2500x2x128xi32, #tpu.memory_space<hbm>> -> memref<1x2x128xi32, #tpu.memory_space<hbm>>
        tpu.wait_dma2 semaphore(%run_scoped3A : memref<!tpu.dma_semaphore, #tpu.memory_space<semaphore_mem>>) src(%dma_wait3A_217 : memref<1x2x128xi32, #tpu.memory_space<hbm>>) dst(%arg7 : memref<1x2x128xi32, #tpu.memory_space<vmem>>)
        tpu.yield
      }) : () -> ()
    } else {
    }
    %barrier3A = arith.constant 0 : index
    tpu.barrier barrier_id(%barrier3A)
    %dma_start3A = arith.constant 0 : i32
    %dma_start3A_16 = arith.constant 0 : i32
    %dma_start3A_17 = arith.constant 0 : i32
    %dma_start3A_18 = arith.constant 0 : i32
    %dma_start3A_19 = arith.constant 0 : i32
    %dma_start3A_20 = tpu.memref_slice %arg8[%dma_start3A_17, %dma_start3A_18, %dma_start3A_19] : memref<13x128x16xf32, #tpu.memory_space<vmem>> -> memref<1x128x16xf32, #tpu.memory_space<vmem>>
    %dma_start3A_21 = tpu.memref_squeeze %dma_start3A_20 : memref<1x128x16xf32, #tpu.memory_space<vmem>> -> memref<128x16xf32, #tpu.memory_space<vmem>>
    %dma_start3A_22 = arith.constant 0 : i32
    %dma_start3A_23 = tpu.memref_slice %arg6[%dma_start3A, %dma_start3A_16, %dma_start3A_22] : memref<78x2x128xi32, #tpu.memory_space<vmem>> -> memref<1x1x128xi32, #tpu.memory_space<vmem>>
    %dma_start3A_24 = tpu.memref_squeeze %dma_start3A_23 : memref<1x1x128xi32, #tpu.memory_space<vmem>> -> memref<128xi32, #tpu.memory_space<vmem>>
    %dma_start3A_25 = arith.constant 0 : i32
    %dma_start3A_26 = arith.constant 0 : i32
    %dma_start3A_27 = tpu.memref_slice %arg11[%dma_start3A_25, %dma_start3A_26] : memref<10240x16xf32, #tpu.memory_space<vmem_shared>> -> memref<10240x16xf32, #tpu.memory_space<vmem_shared>>
    tpu.enqueue_indirect_dma source(%dma_start3A_27 : memref<10240x16xf32, #tpu.memory_space<vmem_shared>>) target(%dma_start3A_21 : memref<128x16xf32, #tpu.memory_space<vmem>>) offsets(%dma_start3A_24 : memref<128xi32, #tpu.memory_space<vmem>>) semaphore(%arg12 : memref<!tpu.dma_semaphore, #tpu.memory_space<semaphore_mem>>)
    %dma_start3A_28 = arith.constant 1 : i32
    %dma_start3A_29 = arith.constant 0 : i32
    %dma_start3A_30 = arith.constant 1 : i32
    %dma_start3A_31 = arith.constant 0 : i32
    %dma_start3A_32 = arith.constant 0 : i32
    %dma_start3A_33 = tpu.memref_slice %arg8[%dma_start3A_30, %dma_start3A_31, %dma_start3A_32] : memref<13x128x16xf32, #tpu.memory_space<vmem>> -> memref<1x128x16xf32, #tpu.memory_space<vmem>>
    %dma_start3A_34 = tpu.memref_squeeze %dma_start3A_33 : memref<1x128x16xf32, #tpu.memory_space<vmem>> -> memref<128x16xf32, #tpu.memory_space<vmem>>
    %dma_start3A_35 = arith.constant 0 : i32
    %dma_start3A_36 = tpu.memref_slice %arg6[%dma_start3A_28, %dma_start3A_29, %dma_start3A_35] : memref<78x2x128xi32, #tpu.memory_space<vmem>> -> memref<1x1x128xi32, #tpu.memory_space<vmem>>
    %dma_start3A_37 = tpu.memref_squeeze %dma_start3A_36 : memref<1x1x128xi32, #tpu.memory_space<vmem>> -> memref<128xi32, #tpu.memory_space<vmem>>
    %dma_start3A_38 = arith.constant 0 : i32
    %dma_start3A_39 = arith.constant 0 : i32
    %dma_start3A_40 = tpu.memref_slice %arg11[%dma_start3A_38, %dma_start3A_39] : memref<10240x16xf32, #tpu.memory_space<vmem_shared>> -> memref<10240x16xf32, #tpu.memory_space<vmem_shared>>
    tpu.enqueue_indirect_dma source(%dma_start3A_40 : memref<10240x16xf32, #tpu.memory_space<vmem_shared>>) target(%dma_start3A_34 : memref<128x16xf32, #tpu.memory_space<vmem>>) offsets(%dma_start3A_37 : memref<128xi32, #tpu.memory_space<vmem>>) semaphore(%arg13 : memref<!tpu.dma_semaphore, #tpu.memory_space<semaphore_mem>>)
    %dma_start3A_41 = arith.constant 2 : i32
    %dma_start3A_42 = arith.constant 0 : i32
    %dma_start3A_43 = arith.constant 2 : i32
    %dma_start3A_44 = arith.constant 0 : i32
    %dma_start3A_45 = arith.constant 0 : i32
    %dma_start3A_46 = tpu.memref_slice %arg8[%dma_start3A_43, %dma_start3A_44, %dma_start3A_45] : memref<13x128x16xf32, #tpu.memory_space<vmem>> -> memref<1x128x16xf32, #tpu.memory_space<vmem>>
    %dma_start3A_47 = tpu.memref_squeeze %dma_start3A_46 : memref<1x128x16xf32, #tpu.memory_space<vmem>> -> memref<128x16xf32, #tpu.memory_space<vmem>>
    %dma_start3A_48 = arith.constant 0 : i32
    %dma_start3A_49 = tpu.memref_slice %arg6[%dma_start3A_41, %dma_start3A_42, %dma_start3A_48] : memref<78x2x128xi32, #tpu.memory_space<vmem>> -> memref<1x1x128xi32, #tpu.memory_space<vmem>>
    %dma_start3A_50 = tpu.memref_squeeze %dma_start3A_49 : memref<1x1x128xi32, #tpu.memory_space<vmem>> -> memref<128xi32, #tpu.memory_space<vmem>>
    %dma_start3A_51 = arith.constant 0 : i32
    %dma_start3A_52 = arith.constant 0 : i32
    %dma_start3A_53 = tpu.memref_slice %arg11[%dma_start3A_51, %dma_start3A_52] : memref<10240x16xf32, #tpu.memory_space<vmem_shared>> -> memref<10240x16xf32, #tpu.memory_space<vmem_shared>>
    tpu.enqueue_indirect_dma source(%dma_start3A_53 : memref<10240x16xf32, #tpu.memory_space<vmem_shared>>) target(%dma_start3A_47 : memref<128x16xf32, #tpu.memory_space<vmem>>) offsets(%dma_start3A_50 : memref<128xi32, #tpu.memory_space<vmem>>) semaphore(%arg14 : memref<!tpu.dma_semaphore, #tpu.memory_space<semaphore_mem>>)
    %dma_start3A_54 = arith.constant 3 : i32
    %dma_start3A_55 = arith.constant 0 : i32
    %dma_start3A_56 = arith.constant 3 : i32
    %dma_start3A_57 = arith.constant 0 : i32
    %dma_start3A_58 = arith.constant 0 : i32
    %dma_start3A_59 = tpu.memref_slice %arg8[%dma_start3A_56, %dma_start3A_57, %dma_start3A_58] : memref<13x128x16xf32, #tpu.memory_space<vmem>> -> memref<1x128x16xf32, #tpu.memory_space<vmem>>
    %dma_start3A_60 = tpu.memref_squeeze %dma_start3A_59 : memref<1x128x16xf32, #tpu.memory_space<vmem>> -> memref<128x16xf32, #tpu.memory_space<vmem>>
    %dma_start3A_61 = arith.constant 0 : i32
    %dma_start3A_62 = tpu.memref_slice %arg6[%dma_start3A_54, %dma_start3A_55, %dma_start3A_61] : memref<78x2x128xi32, #tpu.memory_space<vmem>> -> memref<1x1x128xi32, #tpu.memory_space<vmem>>
    %dma_start3A_63 = tpu.memref_squeeze %dma_start3A_62 : memref<1x1x128xi32, #tpu.memory_space<vmem>> -> memref<128xi32, #tpu.memory_space<vmem>>
    %dma_start3A_64 = arith.constant 0 : i32
    %dma_start3A_65 = arith.constant 0 : i32
    %dma_start3A_66 = tpu.memref_slice %arg11[%dma_start3A_64, %dma_start3A_65] : memref<10240x16xf32, #tpu.memory_space<vmem_shared>> -> memref<10240x16xf32, #tpu.memory_space<vmem_shared>>
    tpu.enqueue_indirect_dma source(%dma_start3A_66 : memref<10240x16xf32, #tpu.memory_space<vmem_shared>>) target(%dma_start3A_60 : memref<128x16xf32, #tpu.memory_space<vmem>>) offsets(%dma_start3A_63 : memref<128xi32, #tpu.memory_space<vmem>>) semaphore(%arg15 : memref<!tpu.dma_semaphore, #tpu.memory_space<semaphore_mem>>)
    %dma_start3A_67 = arith.constant 4 : i32
    %dma_start3A_68 = arith.constant 0 : i32
    %dma_start3A_69 = arith.constant 4 : i32
    %dma_start3A_70 = arith.constant 0 : i32
    %dma_start3A_71 = arith.constant 0 : i32
    %dma_start3A_72 = tpu.memref_slice %arg8[%dma_start3A_69, %dma_start3A_70, %dma_start3A_71] : memref<13x128x16xf32, #tpu.memory_space<vmem>> -> memref<1x128x16xf32, #tpu.memory_space<vmem>>
    %dma_start3A_73 = tpu.memref_squeeze %dma_start3A_72 : memref<1x128x16xf32, #tpu.memory_space<vmem>> -> memref<128x16xf32, #tpu.memory_space<vmem>>
    %dma_start3A_74 = arith.constant 0 : i32
    %dma_start3A_75 = tpu.memref_slice %arg6[%dma_start3A_67, %dma_start3A_68, %dma_start3A_74] : memref<78x2x128xi32, #tpu.memory_space<vmem>> -> memref<1x1x128xi32, #tpu.memory_space<vmem>>
    %dma_start3A_76 = tpu.memref_squeeze %dma_start3A_75 : memref<1x1x128xi32, #tpu.memory_space<vmem>> -> memref<128xi32, #tpu.memory_space<vmem>>
    %dma_start3A_77 = arith.constant 0 : i32
    %dma_start3A_78 = arith.constant 0 : i32
    %dma_start3A_79 = tpu.memref_slice %arg11[%dma_start3A_77, %dma_start3A_78] : memref<10240x16xf32, #tpu.memory_space<vmem_shared>> -> memref<10240x16xf32, #tpu.memory_space<vmem_shared>>
    tpu.enqueue_indirect_dma source(%dma_start3A_79 : memref<10240x16xf32, #tpu.memory_space<vmem_shared>>) target(%dma_start3A_73 : memref<128x16xf32, #tpu.memory_space<vmem>>) offsets(%dma_start3A_76 : memref<128xi32, #tpu.memory_space<vmem>>) semaphore(%arg16 : memref<!tpu.dma_semaphore, #tpu.memory_space<semaphore_mem>>)
    %dma_start3A_80 = arith.constant 5 : i32
    %dma_start3A_81 = arith.constant 0 : i32
    %dma_start3A_82 = arith.constant 5 : i32
    %dma_start3A_83 = arith.constant 0 : i32
    %dma_start3A_84 = arith.constant 0 : i32
    %dma_start3A_85 = tpu.memref_slice %arg8[%dma_start3A_82, %dma_start3A_83, %dma_start3A_84] : memref<13x128x16xf32, #tpu.memory_space<vmem>> -> memref<1x128x16xf32, #tpu.memory_space<vmem>>
    %dma_start3A_86 = tpu.memref_squeeze %dma_start3A_85 : memref<1x128x16xf32, #tpu.memory_space<vmem>> -> memref<128x16xf32, #tpu.memory_space<vmem>>
    %dma_start3A_87 = arith.constant 0 : i32
    %dma_start3A_88 = tpu.memref_slice %arg6[%dma_start3A_80, %dma_start3A_81, %dma_start3A_87] : memref<78x2x128xi32, #tpu.memory_space<vmem>> -> memref<1x1x128xi32, #tpu.memory_space<vmem>>
    %dma_start3A_89 = tpu.memref_squeeze %dma_start3A_88 : memref<1x1x128xi32, #tpu.memory_space<vmem>> -> memref<128xi32, #tpu.memory_space<vmem>>
    %dma_start3A_90 = arith.constant 0 : i32
    %dma_start3A_91 = arith.constant 0 : i32
    %dma_start3A_92 = tpu.memref_slice %arg11[%dma_start3A_90, %dma_start3A_91] : memref<10240x16xf32, #tpu.memory_space<vmem_shared>> -> memref<10240x16xf32, #tpu.memory_space<vmem_shared>>
    tpu.enqueue_indirect_dma source(%dma_start3A_92 : memref<10240x16xf32, #tpu.memory_space<vmem_shared>>) target(%dma_start3A_86 : memref<128x16xf32, #tpu.memory_space<vmem>>) offsets(%dma_start3A_89 : memref<128xi32, #tpu.memory_space<vmem>>) semaphore(%arg17 : memref<!tpu.dma_semaphore, #tpu.memory_space<semaphore_mem>>)
    %scan3A_93 = arith.constant 0 : i32
    %scan3A_94 = arith.constant 0 : i32
    %scan3A_95 = arith.constant 6 : i32
    %scan3A_96 = arith.addi %scan3A_94, %scan3A_95 : i32
    %scan3A_97 = arith.constant 1 : i32
    scf.for %scan3A_204 = %scan3A_94 to %scan3A_96 step %scan3A_97  : i32 {
      %mul3A_205 = arith.constant 13 : i32
      %mul3A_206 = arith.muli %scan3A_204, %mul3A_205 : i32
      %add3A_207 = arith.constant 0 : i32
      %add3A_208 = arith.addi %mul3A_206, %add3A_207 : i32
      %dma_wait3A_209 = arith.constant 0 : i32
      %dma_wait3A_210 = arith.constant 0 : i32
      %dma_wait3A_211 = arith.constant 0 : i32
      %dma_wait3A_212 = arith.constant 0 : i32
      %dma_wait3A_213 = arith.constant 0 : i32
      %dma_wait3A_214 = tpu.memref_slice %arg8[%dma_wait3A_211, %dma_wait3A_212, %dma_wait3A_213] : memref<13x128x16xf32, #tpu.memory_space<vmem>> -> memref<1x128x16xf32, #tpu.memory_space<vmem>>
      %dma_wait3A_215 = tpu.memref_squeeze %dma_wait3A_214 : memref<1x128x16xf32, #tpu.memory_space<vmem>> -> memref<128x16xf32, #tpu.memory_space<vmem>>
      %dma_wait3A_216 = arith.constant 0 : i32
      %dma_wait3A_217 = tpu.memref_slice %arg6[%dma_wait3A_209, %dma_wait3A_210, %dma_wait3A_216] : memref<78x2x128xi32, #tpu.memory_space<vmem>> -> memref<1x1x128xi32, #tpu.memory_space<vmem>>
      %dma_wait3A_218 = tpu.memref_squeeze %dma_wait3A_217 : memref<1x1x128xi32, #tpu.memory_space<vmem>> -> memref<128xi32, #tpu.memory_space<vmem>>
      %dma_wait3A_219 = arith.constant 0 : i32
      %dma_wait3A_220 = arith.constant 0 : i32
      %dma_wait3A_221 = tpu.memref_slice %arg11[%dma_wait3A_219, %dma_wait3A_220] : memref<10240x16xf32, #tpu.memory_space<vmem_shared>> -> memref<10240x16xf32, #tpu.memory_space<vmem_shared>>
      tpu.wait_indirect_dma semaphore(%arg12 : memref<!tpu.dma_semaphore, #tpu.memory_space<semaphore_mem>>) src(%dma_wait3A_221 : memref<10240x16xf32, #tpu.memory_space<vmem_shared>>) dst(%dma_wait3A_215 : memref<128x16xf32, #tpu.memory_space<vmem>>)
      %dma_start3A_222 = arith.constant 0 : i32
      %dma_start3A_223 = arith.constant 1 : i32
      %dma_start3A_224 = arith.constant 0 : i32
      %dma_start3A_225 = arith.constant 0 : i32
      %dma_start3A_226 = tpu.memref_slice %arg8[%dma_start3A_222, %dma_start3A_224, %dma_start3A_225] : memref<13x128x16xf32, #tpu.memory_space<vmem>> -> memref<1x128x16xf32, #tpu.memory_space<vmem>>
      %dma_start3A_227 = tpu.memref_squeeze %dma_start3A_226 : memref<1x128x16xf32, #tpu.memory_space<vmem>> -> memref<128x16xf32, #tpu.memory_space<vmem>>
      %dma_start3A_228 = arith.constant 0 : i32
      %dma_start3A_229 = tpu.memref_slice %arg6[%add3A_208, %dma_start3A_223, %dma_start3A_228] : memref<78x2x128xi32, #tpu.memory_space<vmem>> -> memref<1x1x128xi32, #tpu.memory_space<vmem>>
      %dma_start3A_230 = tpu.memref_squeeze %dma_start3A_229 : memref<1x1x128xi32, #tpu.memory_space<vmem>> -> memref<128xi32, #tpu.memory_space<vmem>>
      %dma_start3A_231 = arith.constant 0 : i32
      %dma_start3A_232 = arith.constant 0 : i32
      %dma_start3A_233 = tpu.memref_slice %arg10[%dma_start3A_231, %dma_start3A_232] : memref<10240x16xf32, #tpu.memory_space<vmem_shared>> -> memref<10240x16xf32, #tpu.memory_space<vmem_shared>>
      tpu.enqueue_indirect_dma source(%dma_start3A_227 : memref<128x16xf32, #tpu.memory_space<vmem>>) target(%dma_start3A_233 : memref<10240x16xf32, #tpu.memory_space<vmem_shared>>) offsets(%dma_start3A_230 : memref<128xi32, #tpu.memory_space<vmem>>) semaphore(%arg25 : memref<!tpu.dma_semaphore, #tpu.memory_space<semaphore_mem>>) {add = true}
      %ge3A = arith.constant 7 : i32
      %ge3A_234 = arith.cmpi sge, %add3A_208, %ge3A : i32
      %convert_element_type3A_235 = arith.extui %ge3A_234 : i1 to i32
      %cond3A_236 = arith.constant 0 : i32
      %cond3A_237 = arith.cmpi ne, %convert_element_type3A_235, %cond3A_236 : i32
      scf.if %cond3A_237 {
        %dma_wait3A_713 = arith.constant 6 : i32
        %dma_wait3A_714 = arith.constant 1 : i32
        %dma_wait3A_715 = arith.constant 0 : i32
        %dma_wait3A_716 = arith.constant 0 : i32
        %dma_wait3A_717 = tpu.memref_slice %arg8[%dma_wait3A_713, %dma_wait3A_715, %dma_wait3A_716] : memref<13x128x16xf32, #tpu.memory_space<vmem>> -> memref<1x128x16xf32, #tpu.memory_space<vmem>>
        %dma_wait3A_718 = tpu.memref_squeeze %dma_wait3A_717 : memref<1x128x16xf32, #tpu.memory_space<vmem>> -> memref<128x16xf32, #tpu.memory_space<vmem>>
        %dma_wait3A_719 = arith.constant 0 : i32
        %dma_wait3A_720 = tpu.memref_slice %arg6[%add3A_208, %dma_wait3A_714, %dma_wait3A_719] : memref<78x2x128xi32, #tpu.memory_space<vmem>> -> memref<1x1x128xi32, #tpu.memory_space<vmem>>
        %dma_wait3A_721 = tpu.memref_squeeze %dma_wait3A_720 : memref<1x1x128xi32, #tpu.memory_space<vmem>> -> memref<128xi32, #tpu.memory_space<vmem>>
        %dma_wait3A_722 = arith.constant 0 : i32
        %dma_wait3A_723 = arith.constant 0 : i32
        %dma_wait3A_724 = tpu.memref_slice %arg10[%dma_wait3A_722, %dma_wait3A_723] : memref<10240x16xf32, #tpu.memory_space<vmem_shared>> -> memref<10240x16xf32, #tpu.memory_space<vmem_shared>>
        tpu.wait_indirect_dma semaphore(%arg31 : memref<!tpu.dma_semaphore, #tpu.memory_space<semaphore_mem>>) src(%dma_wait3A_718 : memref<128x16xf32, #tpu.memory_space<vmem>>) dst(%dma_wait3A_724 : memref<10240x16xf32, #tpu.memory_space<vmem_shared>>)
      } else {
      }
      %add3A_238 = arith.constant 6 : i32
      %add3A_239 = arith.addi %add3A_208, %add3A_238 : i32
      %lt3A_240 = arith.constant 78 : i32
      %lt3A_241 = arith.cmpi slt, %add3A_239, %lt3A_240 : i32
      %convert_element_type3A_242 = arith.extui %lt3A_241 : i1 to i32
      %cond3A_243 = arith.constant 0 : i32
      %cond3A_244 = arith.cmpi ne, %convert_element_type3A_242, %cond3A_243 : i32
      scf.if %cond3A_244 {
        %add3A_713 = arith.constant 6 : i32
        %add3A_714 = arith.addi %add3A_208, %add3A_713 : i32
        %dma_start3A_715 = arith.constant 0 : i32
        %dma_start3A_716 = arith.constant 6 : i32
        %dma_start3A_717 = arith.constant 0 : i32
        %dma_start3A_718 = arith.constant 0 : i32
        %dma_start3A_719 = tpu.memref_slice %arg8[%dma_start3A_716, %dma_start3A_717, %dma_start3A_718] : memref<13x128x16xf32, #tpu.memory_space<vmem>> -> memref<1x128x16xf32, #tpu.memory_space<vmem>>
        %dma_start3A_720 = tpu.memref_squeeze %dma_start3A_719 : memref<1x128x16xf32, #tpu.memory_space<vmem>> -> memref<128x16xf32, #tpu.memory_space<vmem>>
        %dma_start3A_721 = arith.constant 0 : i32
        %dma_start3A_722 = tpu.memref_slice %arg6[%add3A_714, %dma_start3A_715, %dma_start3A_721] : memref<78x2x128xi32, #tpu.memory_space<vmem>> -> memref<1x1x128xi32, #tpu.memory_space<vmem>>
        %dma_start3A_723 = tpu.memref_squeeze %dma_start3A_722 : memref<1x1x128xi32, #tpu.memory_space<vmem>> -> memref<128xi32, #tpu.memory_space<vmem>>
        %dma_start3A_724 = arith.constant 0 : i32
        %dma_start3A_725 = arith.constant 0 : i32
        %dma_start3A_726 = tpu.memref_slice %arg11[%dma_start3A_724, %dma_start3A_725] : memref<10240x16xf32, #tpu.memory_space<vmem_shared>> -> memref<10240x16xf32, #tpu.memory_space<vmem_shared>>
        tpu.enqueue_indirect_dma source(%dma_start3A_726 : memref<10240x16xf32, #tpu.memory_space<vmem_shared>>) target(%dma_start3A_720 : memref<128x16xf32, #tpu.memory_space<vmem>>) offsets(%dma_start3A_723 : memref<128xi32, #tpu.memory_space<vmem>>) semaphore(%arg18 : memref<!tpu.dma_semaphore, #tpu.memory_space<semaphore_mem>>)
      } else {
      }
      %add3A_245 = arith.constant 1 : i32
      %add3A_246 = arith.addi %mul3A_206, %add3A_245 : i32
      %dma_wait3A_247 = arith.constant 1 : i32
      %dma_wait3A_248 = arith.constant 0 : i32
      %dma_wait3A_249 = arith.constant 1 : i32
      %dma_wait3A_250 = arith.constant 0 : i32
      %dma_wait3A_251 = arith.constant 0 : i32
      %dma_wait3A_252 = tpu.memref_slice %arg8[%dma_wait3A_249, %dma_wait3A_250, %dma_wait3A_251] : memref<13x128x16xf32, #tpu.memory_space<vmem>> -> memref<1x128x16xf32, #tpu.memory_space<vmem>>
      %dma_wait3A_253 = tpu.memref_squeeze %dma_wait3A_252 : memref<1x128x16xf32, #tpu.memory_space<vmem>> -> memref<128x16xf32, #tpu.memory_space<vmem>>
      %dma_wait3A_254 = arith.constant 0 : i32
      %dma_wait3A_255 = tpu.memref_slice %arg6[%dma_wait3A_247, %dma_wait3A_248, %dma_wait3A_254] : memref<78x2x128xi32, #tpu.memory_space<vmem>> -> memref<1x1x128xi32, #tpu.memory_space<vmem>>
      %dma_wait3A_256 = tpu.memref_squeeze %dma_wait3A_255 : memref<1x1x128xi32, #tpu.memory_space<vmem>> -> memref<128xi32, #tpu.memory_space<vmem>>
      %dma_wait3A_257 = arith.constant 0 : i32
      %dma_wait3A_258 = arith.constant 0 : i32
      %dma_wait3A_259 = tpu.memref_slice %arg11[%dma_wait3A_257, %dma_wait3A_258] : memref<10240x16xf32, #tpu.memory_space<vmem_shared>> -> memref<10240x16xf32, #tpu.memory_space<vmem_shared>>
      tpu.wait_indirect_dma semaphore(%arg13 : memref<!tpu.dma_semaphore, #tpu.memory_space<semaphore_mem>>) src(%dma_wait3A_259 : memref<10240x16xf32, #tpu.memory_space<vmem_shared>>) dst(%dma_wait3A_253 : memref<128x16xf32, #tpu.memory_space<vmem>>)
      %dma_start3A_260 = arith.constant 1 : i32
      %dma_start3A_261 = arith.constant 1 : i32
      %dma_start3A_262 = arith.constant 0 : i32
      %dma_start3A_263 = arith.constant 0 : i32
      %dma_start3A_264 = tpu.memref_slice %arg8[%dma_start3A_260, %dma_start3A_262, %dma_start3A_263] : memref<13x128x16xf32, #tpu.memory_space<vmem>> -> memref<1x128x16xf32, #tpu.memory_space<vmem>>
      %dma_start3A_265 = tpu.memref_squeeze %dma_start3A_264 : memref<1x128x16xf32, #tpu.memory_space<vmem>> -> memref<128x16xf32, #tpu.memory_space<vmem>>
      %dma_start3A_266 = arith.constant 0 : i32
      %dma_start3A_267 = tpu.memref_slice %arg6[%add3A_246, %dma_start3A_261, %dma_start3A_266] : memref<78x2x128xi32, #tpu.memory_space<vmem>> -> memref<1x1x128xi32, #tpu.memory_space<vmem>>
      %dma_start3A_268 = tpu.memref_squeeze %dma_start3A_267 : memref<1x1x128xi32, #tpu.memory_space<vmem>> -> memref<128xi32, #tpu.memory_space<vmem>>
      %dma_start3A_269 = arith.constant 0 : i32
      %dma_start3A_270 = arith.constant 0 : i32
      %dma_start3A_271 = tpu.memref_slice %arg10[%dma_start3A_269, %dma_start3A_270] : memref<10240x16xf32, #tpu.memory_space<vmem_shared>> -> memref<10240x16xf32, #tpu.memory_space<vmem_shared>>
      tpu.enqueue_indirect_dma source(%dma_start3A_265 : memref<128x16xf32, #tpu.memory_space<vmem>>) target(%dma_start3A_271 : memref<10240x16xf32, #tpu.memory_space<vmem_shared>>) offsets(%dma_start3A_268 : memref<128xi32, #tpu.memory_space<vmem>>) semaphore(%arg26 : memref<!tpu.dma_semaphore, #tpu.memory_space<semaphore_mem>>) {add = true}
      %ge3A_272 = arith.constant 7 : i32
      %ge3A_273 = arith.cmpi sge, %add3A_246, %ge3A_272 : i32
      %convert_element_type3A_274 = arith.extui %ge3A_273 : i1 to i32
      %cond3A_275 = arith.constant 0 : i32
      %cond3A_276 = arith.cmpi ne, %convert_element_type3A_274, %cond3A_275 : i32
      scf.if %cond3A_276 {
        %dma_wait3A_713 = arith.constant 7 : i32
        %dma_wait3A_714 = arith.constant 1 : i32
        %dma_wait3A_715 = arith.constant 0 : i32
        %dma_wait3A_716 = arith.constant 0 : i32
        %dma_wait3A_717 = tpu.memref_slice %arg8[%dma_wait3A_713, %dma_wait3A_715, %dma_wait3A_716] : memref<13x128x16xf32, #tpu.memory_space<vmem>> -> memref<1x128x16xf32, #tpu.memory_space<vmem>>
        %dma_wait3A_718 = tpu.memref_squeeze %dma_wait3A_717 : memref<1x128x16xf32, #tpu.memory_space<vmem>> -> memref<128x16xf32, #tpu.memory_space<vmem>>
        %dma_wait3A_719 = arith.constant 0 : i32
        %dma_wait3A_720 = tpu.memref_slice %arg6[%add3A_246, %dma_wait3A_714, %dma_wait3A_719] : memref<78x2x128xi32, #tpu.memory_space<vmem>> -> memref<1x1x128xi32, #tpu.memory_space<vmem>>
        %dma_wait3A_721 = tpu.memref_squeeze %dma_wait3A_720 : memref<1x1x128xi32, #tpu.memory_space<vmem>> -> memref<128xi32, #tpu.memory_space<vmem>>
        %dma_wait3A_722 = arith.constant 0 : i32
        %dma_wait3A_723 = arith.constant 0 : i32
        %dma_wait3A_724 = tpu.memref_slice %arg10[%dma_wait3A_722, %dma_wait3A_723] : memref<10240x16xf32, #tpu.memory_space<vmem_shared>> -> memref<10240x16xf32, #tpu.memory_space<vmem_shared>>
        tpu.wait_indirect_dma semaphore(%arg32 : memref<!tpu.dma_semaphore, #tpu.memory_space<semaphore_mem>>) src(%dma_wait3A_718 : memref<128x16xf32, #tpu.memory_space<vmem>>) dst(%dma_wait3A_724 : memref<10240x16xf32, #tpu.memory_space<vmem_shared>>)
      } else {
      }
      %add3A_277 = arith.constant 6 : i32
      %add3A_278 = arith.addi %add3A_246, %add3A_277 : i32
      %lt3A_279 = arith.constant 78 : i32
      %lt3A_280 = arith.cmpi slt, %add3A_278, %lt3A_279 : i32
      %convert_element_type3A_281 = arith.extui %lt3A_280 : i1 to i32
      %cond3A_282 = arith.constant 0 : i32
      %cond3A_283 = arith.cmpi ne, %convert_element_type3A_281, %cond3A_282 : i32
      scf.if %cond3A_283 {
        %add3A_713 = arith.constant 6 : i32
        %add3A_714 = arith.addi %add3A_246, %add3A_713 : i32
        %dma_start3A_715 = arith.constant 0 : i32
        %dma_start3A_716 = arith.constant 7 : i32
        %dma_start3A_717 = arith.constant 0 : i32
        %dma_start3A_718 = arith.constant 0 : i32
        %dma_start3A_719 = tpu.memref_slice %arg8[%dma_start3A_716, %dma_start3A_717, %dma_start3A_718] : memref<13x128x16xf32, #tpu.memory_space<vmem>> -> memref<1x128x16xf32, #tpu.memory_space<vmem>>
        %dma_start3A_720 = tpu.memref_squeeze %dma_start3A_719 : memref<1x128x16xf32, #tpu.memory_space<vmem>> -> memref<128x16xf32, #tpu.memory_space<vmem>>
        %dma_start3A_721 = arith.constant 0 : i32
        %dma_start3A_722 = tpu.memref_slice %arg6[%add3A_714, %dma_start3A_715, %dma_start3A_721] : memref<78x2x128xi32, #tpu.memory_space<vmem>> -> memref<1x1x128xi32, #tpu.memory_space<vmem>>
        %dma_start3A_723 = tpu.memref_squeeze %dma_start3A_722 : memref<1x1x128xi32, #tpu.memory_space<vmem>> -> memref<128xi32, #tpu.memory_space<vmem>>
        %dma_start3A_724 = arith.constant 0 : i32
        %dma_start3A_725 = arith.constant 0 : i32
        %dma_start3A_726 = tpu.memref_slice %arg11[%dma_start3A_724, %dma_start3A_725] : memref<10240x16xf32, #tpu.memory_space<vmem_shared>> -> memref<10240x16xf32, #tpu.memory_space<vmem_shared>>
        tpu.enqueue_indirect_dma source(%dma_start3A_726 : memref<10240x16xf32, #tpu.memory_space<vmem_shared>>) target(%dma_start3A_720 : memref<128x16xf32, #tpu.memory_space<vmem>>) offsets(%dma_start3A_723 : memref<128xi32, #tpu.memory_space<vmem>>) semaphore(%arg19 : memref<!tpu.dma_semaphore, #tpu.memory_space<semaphore_mem>>)
      } else {
      }
      %add3A_284 = arith.constant 2 : i32
      %add3A_285 = arith.addi %mul3A_206, %add3A_284 : i32
      %dma_wait3A_286 = arith.constant 2 : i32
      %dma_wait3A_287 = arith.constant 0 : i32
      %dma_wait3A_288 = arith.constant 2 : i32
      %dma_wait3A_289 = arith.constant 0 : i32
      %dma_wait3A_290 = arith.constant 0 : i32
      %dma_wait3A_291 = tpu.memref_slice %arg8[%dma_wait3A_288, %dma_wait3A_289, %dma_wait3A_290] : memref<13x128x16xf32, #tpu.memory_space<vmem>> -> memref<1x128x16xf32, #tpu.memory_space<vmem>>
      %dma_wait3A_292 = tpu.memref_squeeze %dma_wait3A_291 : memref<1x128x16xf32, #tpu.memory_space<vmem>> -> memref<128x16xf32, #tpu.memory_space<vmem>>
      %dma_wait3A_293 = arith.constant 0 : i32
      %dma_wait3A_294 = tpu.memref_slice %arg6[%dma_wait3A_286, %dma_wait3A_287, %dma_wait3A_293] : memref<78x2x128xi32, #tpu.memory_space<vmem>> -> memref<1x1x128xi32, #tpu.memory_space<vmem>>
      %dma_wait3A_295 = tpu.memref_squeeze %dma_wait3A_294 : memref<1x1x128xi32, #tpu.memory_space<vmem>> -> memref<128xi32, #tpu.memory_space<vmem>>
      %dma_wait3A_296 = arith.constant 0 : i32
      %dma_wait3A_297 = arith.constant 0 : i32
      %dma_wait3A_298 = tpu.memref_slice %arg11[%dma_wait3A_296, %dma_wait3A_297] : memref<10240x16xf32, #tpu.memory_space<vmem_shared>> -> memref<10240x16xf32, #tpu.memory_space<vmem_shared>>
      tpu.wait_indirect_dma semaphore(%arg14 : memref<!tpu.dma_semaphore, #tpu.memory_space<semaphore_mem>>) src(%dma_wait3A_298 : memref<10240x16xf32, #tpu.memory_space<vmem_shared>>) dst(%dma_wait3A_292 : memref<128x16xf32, #tpu.memory_space<vmem>>)
      %dma_start3A_299 = arith.constant 2 : i32
      %dma_start3A_300 = arith.constant 1 : i32
      %dma_start3A_301 = arith.constant 0 : i32
      %dma_start3A_302 = arith.constant 0 : i32
      %dma_start3A_303 = tpu.memref_slice %arg8[%dma_start3A_299, %dma_start3A_301, %dma_start3A_302] : memref<13x128x16xf32, #tpu.memory_space<vmem>> -> memref<1x128x16xf32, #tpu.memory_space<vmem>>
      %dma_start3A_304 = tpu.memref_squeeze %dma_start3A_303 : memref<1x128x16xf32, #tpu.memory_space<vmem>> -> memref<128x16xf32, #tpu.memory_space<vmem>>
      %dma_start3A_305 = arith.constant 0 : i32
      %dma_start3A_306 = tpu.memref_slice %arg6[%add3A_285, %dma_start3A_300, %dma_start3A_305] : memref<78x2x128xi32, #tpu.memory_space<vmem>> -> memref<1x1x128xi32, #tpu.memory_space<vmem>>
      %dma_start3A_307 = tpu.memref_squeeze %dma_start3A_306 : memref<1x1x128xi32, #tpu.memory_space<vmem>> -> memref<128xi32, #tpu.memory_space<vmem>>
      %dma_start3A_308 = arith.constant 0 : i32
      %dma_start3A_309 = arith.constant 0 : i32
      %dma_start3A_310 = tpu.memref_slice %arg10[%dma_start3A_308, %dma_start3A_309] : memref<10240x16xf32, #tpu.memory_space<vmem_shared>> -> memref<10240x16xf32, #tpu.memory_space<vmem_shared>>
      tpu.enqueue_indirect_dma source(%dma_start3A_304 : memref<128x16xf32, #tpu.memory_space<vmem>>) target(%dma_start3A_310 : memref<10240x16xf32, #tpu.memory_space<vmem_shared>>) offsets(%dma_start3A_307 : memref<128xi32, #tpu.memory_space<vmem>>) semaphore(%arg27 : memref<!tpu.dma_semaphore, #tpu.memory_space<semaphore_mem>>) {add = true}
      %ge3A_311 = arith.constant 7 : i32
      %ge3A_312 = arith.cmpi sge, %add3A_285, %ge3A_311 : i32
      %convert_element_type3A_313 = arith.extui %ge3A_312 : i1 to i32
      %cond3A_314 = arith.constant 0 : i32
      %cond3A_315 = arith.cmpi ne, %convert_element_type3A_313, %cond3A_314 : i32
      scf.if %cond3A_315 {
        %dma_wait3A_713 = arith.constant 8 : i32
        %dma_wait3A_714 = arith.constant 1 : i32
        %dma_wait3A_715 = arith.constant 0 : i32
        %dma_wait3A_716 = arith.constant 0 : i32
        %dma_wait3A_717 = tpu.memref_slice %arg8[%dma_wait3A_713, %dma_wait3A_715, %dma_wait3A_716] : memref<13x128x16xf32, #tpu.memory_space<vmem>> -> memref<1x128x16xf32, #tpu.memory_space<vmem>>
        %dma_wait3A_718 = tpu.memref_squeeze %dma_wait3A_717 : memref<1x128x16xf32, #tpu.memory_space<vmem>> -> memref<128x16xf32, #tpu.memory_space<vmem>>
        %dma_wait3A_719 = arith.constant 0 : i32
        %dma_wait3A_720 = tpu.memref_slice %arg6[%add3A_285, %dma_wait3A_714, %dma_wait3A_719] : memref<78x2x128xi32, #tpu.memory_space<vmem>> -> memref<1x1x128xi32, #tpu.memory_space<vmem>>
        %dma_wait3A_721 = tpu.memref_squeeze %dma_wait3A_720 : memref<1x1x128xi32, #tpu.memory_space<vmem>> -> memref<128xi32, #tpu.memory_space<vmem>>
        %dma_wait3A_722 = arith.constant 0 : i32
        %dma_wait3A_723 = arith.constant 0 : i32
        %dma_wait3A_724 = tpu.memref_slice %arg10[%dma_wait3A_722, %dma_wait3A_723] : memref<10240x16xf32, #tpu.memory_space<vmem_shared>> -> memref<10240x16xf32, #tpu.memory_space<vmem_shared>>
        tpu.wait_indirect_dma semaphore(%arg33 : memref<!tpu.dma_semaphore, #tpu.memory_space<semaphore_mem>>) src(%dma_wait3A_718 : memref<128x16xf32, #tpu.memory_space<vmem>>) dst(%dma_wait3A_724 : memref<10240x16xf32, #tpu.memory_space<vmem_shared>>)
      } else {
      }
      %add3A_316 = arith.constant 6 : i32
      %add3A_317 = arith.addi %add3A_285, %add3A_316 : i32
      %lt3A_318 = arith.constant 78 : i32
      %lt3A_319 = arith.cmpi slt, %add3A_317, %lt3A_318 : i32
      %convert_element_type3A_320 = arith.extui %lt3A_319 : i1 to i32
      %cond3A_321 = arith.constant 0 : i32
      %cond3A_322 = arith.cmpi ne, %convert_element_type3A_320, %cond3A_321 : i32
      scf.if %cond3A_322 {
        %add3A_713 = arith.constant 6 : i32
        %add3A_714 = arith.addi %add3A_285, %add3A_713 : i32
        %dma_start3A_715 = arith.constant 0 : i32
        %dma_start3A_716 = arith.constant 8 : i32
        %dma_start3A_717 = arith.constant 0 : i32
        %dma_start3A_718 = arith.constant 0 : i32
        %dma_start3A_719 = tpu.memref_slice %arg8[%dma_start3A_716, %dma_start3A_717, %dma_start3A_718] : memref<13x128x16xf32, #tpu.memory_space<vmem>> -> memref<1x128x16xf32, #tpu.memory_space<vmem>>
        %dma_start3A_720 = tpu.memref_squeeze %dma_start3A_719 : memref<1x128x16xf32, #tpu.memory_space<vmem>> -> memref<128x16xf32, #tpu.memory_space<vmem>>
        %dma_start3A_721 = arith.constant 0 : i32
        %dma_start3A_722 = tpu.memref_slice %arg6[%add3A_714, %dma_start3A_715, %dma_start3A_721] : memref<78x2x128xi32, #tpu.memory_space<vmem>> -> memref<1x1x128xi32, #tpu.memory_space<vmem>>
        %dma_start3A_723 = tpu.memref_squeeze %dma_start3A_722 : memref<1x1x128xi32, #tpu.memory_space<vmem>> -> memref<128xi32, #tpu.memory_space<vmem>>
        %dma_start3A_724 = arith.constant 0 : i32
        %dma_start3A_725 = arith.constant 0 : i32
        %dma_start3A_726 = tpu.memref_slice %arg11[%dma_start3A_724, %dma_start3A_725] : memref<10240x16xf32, #tpu.memory_space<vmem_shared>> -> memref<10240x16xf32, #tpu.memory_space<vmem_shared>>
        tpu.enqueue_indirect_dma source(%dma_start3A_726 : memref<10240x16xf32, #tpu.memory_space<vmem_shared>>) target(%dma_start3A_720 : memref<128x16xf32, #tpu.memory_space<vmem>>) offsets(%dma_start3A_723 : memref<128xi32, #tpu.memory_space<vmem>>) semaphore(%arg20 : memref<!tpu.dma_semaphore, #tpu.memory_space<semaphore_mem>>)
      } else {
      }
      %add3A_323 = arith.constant 3 : i32
      %add3A_324 = arith.addi %mul3A_206, %add3A_323 : i32
      %dma_wait3A_325 = arith.constant 3 : i32
      %dma_wait3A_326 = arith.constant 0 : i32
      %dma_wait3A_327 = arith.constant 3 : i32
      %dma_wait3A_328 = arith.constant 0 : i32
      %dma_wait3A_329 = arith.constant 0 : i32
      %dma_wait3A_330 = tpu.memref_slice %arg8[%dma_wait3A_327, %dma_wait3A_328, %dma_wait3A_329] : memref<13x128x16xf32, #tpu.memory_space<vmem>> -> memref<1x128x16xf32, #tpu.memory_space<vmem>>
      %dma_wait3A_331 = tpu.memref_squeeze %dma_wait3A_330 : memref<1x128x16xf32, #tpu.memory_space<vmem>> -> memref<128x16xf32, #tpu.memory_space<vmem>>
      %dma_wait3A_332 = arith.constant 0 : i32
      %dma_wait3A_333 = tpu.memref_slice %arg6[%dma_wait3A_325, %dma_wait3A_326, %dma_wait3A_332] : memref<78x2x128xi32, #tpu.memory_space<vmem>> -> memref<1x1x128xi32, #tpu.memory_space<vmem>>
      %dma_wait3A_334 = tpu.memref_squeeze %dma_wait3A_333 : memref<1x1x128xi32, #tpu.memory_space<vmem>> -> memref<128xi32, #tpu.memory_space<vmem>>
      %dma_wait3A_335 = arith.constant 0 : i32
      %dma_wait3A_336 = arith.constant 0 : i32
      %dma_wait3A_337 = tpu.memref_slice %arg11[%dma_wait3A_335, %dma_wait3A_336] : memref<10240x16xf32, #tpu.memory_space<vmem_shared>> -> memref<10240x16xf32, #tpu.memory_space<vmem_shared>>
      tpu.wait_indirect_dma semaphore(%arg15 : memref<!tpu.dma_semaphore, #tpu.memory_space<semaphore_mem>>) src(%dma_wait3A_337 : memref<10240x16xf32, #tpu.memory_space<vmem_shared>>) dst(%dma_wait3A_331 : memref<128x16xf32, #tpu.memory_space<vmem>>)
      %dma_start3A_338 = arith.constant 3 : i32
      %dma_start3A_339 = arith.constant 1 : i32
      %dma_start3A_340 = arith.constant 0 : i32
      %dma_start3A_341 = arith.constant 0 : i32
      %dma_start3A_342 = tpu.memref_slice %arg8[%dma_start3A_338, %dma_start3A_340, %dma_start3A_341] : memref<13x128x16xf32, #tpu.memory_space<vmem>> -> memref<1x128x16xf32, #tpu.memory_space<vmem>>
      %dma_start3A_343 = tpu.memref_squeeze %dma_start3A_342 : memref<1x128x16xf32, #tpu.memory_space<vmem>> -> memref<128x16xf32, #tpu.memory_space<vmem>>
      %dma_start3A_344 = arith.constant 0 : i32
      %dma_start3A_345 = tpu.memref_slice %arg6[%add3A_324, %dma_start3A_339, %dma_start3A_344] : memref<78x2x128xi32, #tpu.memory_space<vmem>> -> memref<1x1x128xi32, #tpu.memory_space<vmem>>
      %dma_start3A_346 = tpu.memref_squeeze %dma_start3A_345 : memref<1x1x128xi32, #tpu.memory_space<vmem>> -> memref<128xi32, #tpu.memory_space<vmem>>
      %dma_start3A_347 = arith.constant 0 : i32
      %dma_start3A_348 = arith.constant 0 : i32
      %dma_start3A_349 = tpu.memref_slice %arg10[%dma_start3A_347, %dma_start3A_348] : memref<10240x16xf32, #tpu.memory_space<vmem_shared>> -> memref<10240x16xf32, #tpu.memory_space<vmem_shared>>
      tpu.enqueue_indirect_dma source(%dma_start3A_343 : memref<128x16xf32, #tpu.memory_space<vmem>>) target(%dma_start3A_349 : memref<10240x16xf32, #tpu.memory_space<vmem_shared>>) offsets(%dma_start3A_346 : memref<128xi32, #tpu.memory_space<vmem>>) semaphore(%arg28 : memref<!tpu.dma_semaphore, #tpu.memory_space<semaphore_mem>>) {add = true}
      %ge3A_350 = arith.constant 7 : i32
      %ge3A_351 = arith.cmpi sge, %add3A_324, %ge3A_350 : i32
      %convert_element_type3A_352 = arith.extui %ge3A_351 : i1 to i32
      %cond3A_353 = arith.constant 0 : i32
      %cond3A_354 = arith.cmpi ne, %convert_element_type3A_352, %cond3A_353 : i32
      scf.if %cond3A_354 {
        %dma_wait3A_713 = arith.constant 9 : i32
        %dma_wait3A_714 = arith.constant 1 : i32
        %dma_wait3A_715 = arith.constant 0 : i32
        %dma_wait3A_716 = arith.constant 0 : i32
        %dma_wait3A_717 = tpu.memref_slice %arg8[%dma_wait3A_713, %dma_wait3A_715, %dma_wait3A_716] : memref<13x128x16xf32, #tpu.memory_space<vmem>> -> memref<1x128x16xf32, #tpu.memory_space<vmem>>
        %dma_wait3A_718 = tpu.memref_squeeze %dma_wait3A_717 : memref<1x128x16xf32, #tpu.memory_space<vmem>> -> memref<128x16xf32, #tpu.memory_space<vmem>>
        %dma_wait3A_719 = arith.constant 0 : i32
        %dma_wait3A_720 = tpu.memref_slice %arg6[%add3A_324, %dma_wait3A_714, %dma_wait3A_719] : memref<78x2x128xi32, #tpu.memory_space<vmem>> -> memref<1x1x128xi32, #tpu.memory_space<vmem>>
        %dma_wait3A_721 = tpu.memref_squeeze %dma_wait3A_720 : memref<1x1x128xi32, #tpu.memory_space<vmem>> -> memref<128xi32, #tpu.memory_space<vmem>>
        %dma_wait3A_722 = arith.constant 0 : i32
        %dma_wait3A_723 = arith.constant 0 : i32
        %dma_wait3A_724 = tpu.memref_slice %arg10[%dma_wait3A_722, %dma_wait3A_723] : memref<10240x16xf32, #tpu.memory_space<vmem_shared>> -> memref<10240x16xf32, #tpu.memory_space<vmem_shared>>
        tpu.wait_indirect_dma semaphore(%arg34 : memref<!tpu.dma_semaphore, #tpu.memory_space<semaphore_mem>>) src(%dma_wait3A_718 : memref<128x16xf32, #tpu.memory_space<vmem>>) dst(%dma_wait3A_724 : memref<10240x16xf32, #tpu.memory_space<vmem_shared>>)
      } else {
      }
      %add3A_355 = arith.constant 6 : i32
      %add3A_356 = arith.addi %add3A_324, %add3A_355 : i32
      %lt3A_357 = arith.constant 78 : i32
      %lt3A_358 = arith.cmpi slt, %add3A_356, %lt3A_357 : i32
      %convert_element_type3A_359 = arith.extui %lt3A_358 : i1 to i32
      %cond3A_360 = arith.constant 0 : i32
      %cond3A_361 = arith.cmpi ne, %convert_element_type3A_359, %cond3A_360 : i32
      scf.if %cond3A_361 {
        %add3A_713 = arith.constant 6 : i32
        %add3A_714 = arith.addi %add3A_324, %add3A_713 : i32
        %dma_start3A_715 = arith.constant 0 : i32
        %dma_start3A_716 = arith.constant 9 : i32
        %dma_start3A_717 = arith.constant 0 : i32
        %dma_start3A_718 = arith.constant 0 : i32
        %dma_start3A_719 = tpu.memref_slice %arg8[%dma_start3A_716, %dma_start3A_717, %dma_start3A_718] : memref<13x128x16xf32, #tpu.memory_space<vmem>> -> memref<1x128x16xf32, #tpu.memory_space<vmem>>
        %dma_start3A_720 = tpu.memref_squeeze %dma_start3A_719 : memref<1x128x16xf32, #tpu.memory_space<vmem>> -> memref<128x16xf32, #tpu.memory_space<vmem>>
        %dma_start3A_721 = arith.constant 0 : i32
        %dma_start3A_722 = tpu.memref_slice %arg6[%add3A_714, %dma_start3A_715, %dma_start3A_721] : memref<78x2x128xi32, #tpu.memory_space<vmem>> -> memref<1x1x128xi32, #tpu.memory_space<vmem>>
        %dma_start3A_723 = tpu.memref_squeeze %dma_start3A_722 : memref<1x1x128xi32, #tpu.memory_space<vmem>> -> memref<128xi32, #tpu.memory_space<vmem>>
        %dma_start3A_724 = arith.constant 0 : i32
        %dma_start3A_725 = arith.constant 0 : i32
        %dma_start3A_726 = tpu.memref_slice %arg11[%dma_start3A_724, %dma_start3A_725] : memref<10240x16xf32, #tpu.memory_space<vmem_shared>> -> memref<10240x16xf32, #tpu.memory_space<vmem_shared>>
        tpu.enqueue_indirect_dma source(%dma_start3A_726 : memref<10240x16xf32, #tpu.memory_space<vmem_shared>>) target(%dma_start3A_720 : memref<128x16xf32, #tpu.memory_space<vmem>>) offsets(%dma_start3A_723 : memref<128xi32, #tpu.memory_space<vmem>>) semaphore(%arg21 : memref<!tpu.dma_semaphore, #tpu.memory_space<semaphore_mem>>)
      } else {
      }
      %add3A_362 = arith.constant 4 : i32
      %add3A_363 = arith.addi %mul3A_206, %add3A_362 : i32
      %dma_wait3A_364 = arith.constant 4 : i32
      %dma_wait3A_365 = arith.constant 0 : i32
      %dma_wait3A_366 = arith.constant 4 : i32
      %dma_wait3A_367 = arith.constant 0 : i32
      %dma_wait3A_368 = arith.constant 0 : i32
      %dma_wait3A_369 = tpu.memref_slice %arg8[%dma_wait3A_366, %dma_wait3A_367, %dma_wait3A_368] : memref<13x128x16xf32, #tpu.memory_space<vmem>> -> memref<1x128x16xf32, #tpu.memory_space<vmem>>
      %dma_wait3A_370 = tpu.memref_squeeze %dma_wait3A_369 : memref<1x128x16xf32, #tpu.memory_space<vmem>> -> memref<128x16xf32, #tpu.memory_space<vmem>>
      %dma_wait3A_371 = arith.constant 0 : i32
      %dma_wait3A_372 = tpu.memref_slice %arg6[%dma_wait3A_364, %dma_wait3A_365, %dma_wait3A_371] : memref<78x2x128xi32, #tpu.memory_space<vmem>> -> memref<1x1x128xi32, #tpu.memory_space<vmem>>
      %dma_wait3A_373 = tpu.memref_squeeze %dma_wait3A_372 : memref<1x1x128xi32, #tpu.memory_space<vmem>> -> memref<128xi32, #tpu.memory_space<vmem>>
      %dma_wait3A_374 = arith.constant 0 : i32
      %dma_wait3A_375 = arith.constant 0 : i32
      %dma_wait3A_376 = tpu.memref_slice %arg11[%dma_wait3A_374, %dma_wait3A_375] : memref<10240x16xf32, #tpu.memory_space<vmem_shared>> -> memref<10240x16xf32, #tpu.memory_space<vmem_shared>>
      tpu.wait_indirect_dma semaphore(%arg16 : memref<!tpu.dma_semaphore, #tpu.memory_space<semaphore_mem>>) src(%dma_wait3A_376 : memref<10240x16xf32, #tpu.memory_space<vmem_shared>>) dst(%dma_wait3A_370 : memref<128x16xf32, #tpu.memory_space<vmem>>)
      %dma_start3A_377 = arith.constant 4 : i32
      %dma_start3A_378 = arith.constant 1 : i32
      %dma_start3A_379 = arith.constant 0 : i32
      %dma_start3A_380 = arith.constant 0 : i32
      %dma_start3A_381 = tpu.memref_slice %arg8[%dma_start3A_377, %dma_start3A_379, %dma_start3A_380] : memref<13x128x16xf32, #tpu.memory_space<vmem>> -> memref<1x128x16xf32, #tpu.memory_space<vmem>>
      %dma_start3A_382 = tpu.memref_squeeze %dma_start3A_381 : memref<1x128x16xf32, #tpu.memory_space<vmem>> -> memref<128x16xf32, #tpu.memory_space<vmem>>
      %dma_start3A_383 = arith.constant 0 : i32
      %dma_start3A_384 = tpu.memref_slice %arg6[%add3A_363, %dma_start3A_378, %dma_start3A_383] : memref<78x2x128xi32, #tpu.memory_space<vmem>> -> memref<1x1x128xi32, #tpu.memory_space<vmem>>
      %dma_start3A_385 = tpu.memref_squeeze %dma_start3A_384 : memref<1x1x128xi32, #tpu.memory_space<vmem>> -> memref<128xi32, #tpu.memory_space<vmem>>
      %dma_start3A_386 = arith.constant 0 : i32
      %dma_start3A_387 = arith.constant 0 : i32
      %dma_start3A_388 = tpu.memref_slice %arg10[%dma_start3A_386, %dma_start3A_387] : memref<10240x16xf32, #tpu.memory_space<vmem_shared>> -> memref<10240x16xf32, #tpu.memory_space<vmem_shared>>
      tpu.enqueue_indirect_dma source(%dma_start3A_382 : memref<128x16xf32, #tpu.memory_space<vmem>>) target(%dma_start3A_388 : memref<10240x16xf32, #tpu.memory_space<vmem_shared>>) offsets(%dma_start3A_385 : memref<128xi32, #tpu.memory_space<vmem>>) semaphore(%arg29 : memref<!tpu.dma_semaphore, #tpu.memory_space<semaphore_mem>>) {add = true}
      %ge3A_389 = arith.constant 7 : i32
      %ge3A_390 = arith.cmpi sge, %add3A_363, %ge3A_389 : i32
      %convert_element_type3A_391 = arith.extui %ge3A_390 : i1 to i32
      %cond3A_392 = arith.constant 0 : i32
      %cond3A_393 = arith.cmpi ne, %convert_element_type3A_391, %cond3A_392 : i32
      scf.if %cond3A_393 {
        %dma_wait3A_713 = arith.constant 10 : i32
        %dma_wait3A_714 = arith.constant 1 : i32
        %dma_wait3A_715 = arith.constant 0 : i32
        %dma_wait3A_716 = arith.constant 0 : i32
        %dma_wait3A_717 = tpu.memref_slice %arg8[%dma_wait3A_713, %dma_wait3A_715, %dma_wait3A_716] : memref<13x128x16xf32, #tpu.memory_space<vmem>> -> memref<1x128x16xf32, #tpu.memory_space<vmem>>
        %dma_wait3A_718 = tpu.memref_squeeze %dma_wait3A_717 : memref<1x128x16xf32, #tpu.memory_space<vmem>> -> memref<128x16xf32, #tpu.memory_space<vmem>>
        %dma_wait3A_719 = arith.constant 0 : i32
        %dma_wait3A_720 = tpu.memref_slice %arg6[%add3A_363, %dma_wait3A_714, %dma_wait3A_719] : memref<78x2x128xi32, #tpu.memory_space<vmem>> -> memref<1x1x128xi32, #tpu.memory_space<vmem>>
        %dma_wait3A_721 = tpu.memref_squeeze %dma_wait3A_720 : memref<1x1x128xi32, #tpu.memory_space<vmem>> -> memref<128xi32, #tpu.memory_space<vmem>>
        %dma_wait3A_722 = arith.constant 0 : i32
        %dma_wait3A_723 = arith.constant 0 : i32
        %dma_wait3A_724 = tpu.memref_slice %arg10[%dma_wait3A_722, %dma_wait3A_723] : memref<10240x16xf32, #tpu.memory_space<vmem_shared>> -> memref<10240x16xf32, #tpu.memory_space<vmem_shared>>
        tpu.wait_indirect_dma semaphore(%arg35 : memref<!tpu.dma_semaphore, #tpu.memory_space<semaphore_mem>>) src(%dma_wait3A_718 : memref<128x16xf32, #tpu.memory_space<vmem>>) dst(%dma_wait3A_724 : memref<10240x16xf32, #tpu.memory_space<vmem_shared>>)
      } else {
      }
      %add3A_394 = arith.constant 6 : i32
      %add3A_395 = arith.addi %add3A_363, %add3A_394 : i32
      %lt3A_396 = arith.constant 78 : i32
      %lt3A_397 = arith.cmpi slt, %add3A_395, %lt3A_396 : i32
      %convert_element_type3A_398 = arith.extui %lt3A_397 : i1 to i32
      %cond3A_399 = arith.constant 0 : i32
      %cond3A_400 = arith.cmpi ne, %convert_element_type3A_398, %cond3A_399 : i32
      scf.if %cond3A_400 {
        %add3A_713 = arith.constant 6 : i32
        %add3A_714 = arith.addi %add3A_363, %add3A_713 : i32
        %dma_start3A_715 = arith.constant 0 : i32
        %dma_start3A_716 = arith.constant 10 : i32
        %dma_start3A_717 = arith.constant 0 : i32
        %dma_start3A_718 = arith.constant 0 : i32
        %dma_start3A_719 = tpu.memref_slice %arg8[%dma_start3A_716, %dma_start3A_717, %dma_start3A_718] : memref<13x128x16xf32, #tpu.memory_space<vmem>> -> memref<1x128x16xf32, #tpu.memory_space<vmem>>
        %dma_start3A_720 = tpu.memref_squeeze %dma_start3A_719 : memref<1x128x16xf32, #tpu.memory_space<vmem>> -> memref<128x16xf32, #tpu.memory_space<vmem>>
        %dma_start3A_721 = arith.constant 0 : i32
        %dma_start3A_722 = tpu.memref_slice %arg6[%add3A_714, %dma_start3A_715, %dma_start3A_721] : memref<78x2x128xi32, #tpu.memory_space<vmem>> -> memref<1x1x128xi32, #tpu.memory_space<vmem>>
        %dma_start3A_723 = tpu.memref_squeeze %dma_start3A_722 : memref<1x1x128xi32, #tpu.memory_space<vmem>> -> memref<128xi32, #tpu.memory_space<vmem>>
        %dma_start3A_724 = arith.constant 0 : i32
        %dma_start3A_725 = arith.constant 0 : i32
        %dma_start3A_726 = tpu.memref_slice %arg11[%dma_start3A_724, %dma_start3A_725] : memref<10240x16xf32, #tpu.memory_space<vmem_shared>> -> memref<10240x16xf32, #tpu.memory_space<vmem_shared>>
        tpu.enqueue_indirect_dma source(%dma_start3A_726 : memref<10240x16xf32, #tpu.memory_space<vmem_shared>>) target(%dma_start3A_720 : memref<128x16xf32, #tpu.memory_space<vmem>>) offsets(%dma_start3A_723 : memref<128xi32, #tpu.memory_space<vmem>>) semaphore(%arg22 : memref<!tpu.dma_semaphore, #tpu.memory_space<semaphore_mem>>)
      } else {
      }
      %add3A_401 = arith.constant 5 : i32
      %add3A_402 = arith.addi %mul3A_206, %add3A_401 : i32
      %dma_wait3A_403 = arith.constant 5 : i32
      %dma_wait3A_404 = arith.constant 0 : i32
      %dma_wait3A_405 = arith.constant 5 : i32
      %dma_wait3A_406 = arith.constant 0 : i32
      %dma_wait3A_407 = arith.constant 0 : i32
      %dma_wait3A_408 = tpu.memref_slice %arg8[%dma_wait3A_405, %dma_wait3A_406, %dma_wait3A_407] : memref<13x128x16xf32, #tpu.memory_space<vmem>> -> memref<1x128x16xf32, #tpu.memory_space<vmem>>
      %dma_wait3A_409 = tpu.memref_squeeze %dma_wait3A_408 : memref<1x128x16xf32, #tpu.memory_space<vmem>> -> memref<128x16xf32, #tpu.memory_space<vmem>>
      %dma_wait3A_410 = arith.constant 0 : i32
      %dma_wait3A_411 = tpu.memref_slice %arg6[%dma_wait3A_403, %dma_wait3A_404, %dma_wait3A_410] : memref<78x2x128xi32, #tpu.memory_space<vmem>> -> memref<1x1x128xi32, #tpu.memory_space<vmem>>
      %dma_wait3A_412 = tpu.memref_squeeze %dma_wait3A_411 : memref<1x1x128xi32, #tpu.memory_space<vmem>> -> memref<128xi32, #tpu.memory_space<vmem>>
      %dma_wait3A_413 = arith.constant 0 : i32
      %dma_wait3A_414 = arith.constant 0 : i32
      %dma_wait3A_415 = tpu.memref_slice %arg11[%dma_wait3A_413, %dma_wait3A_414] : memref<10240x16xf32, #tpu.memory_space<vmem_shared>> -> memref<10240x16xf32, #tpu.memory_space<vmem_shared>>
      tpu.wait_indirect_dma semaphore(%arg17 : memref<!tpu.dma_semaphore, #tpu.memory_space<semaphore_mem>>) src(%dma_wait3A_415 : memref<10240x16xf32, #tpu.memory_space<vmem_shared>>) dst(%dma_wait3A_409 : memref<128x16xf32, #tpu.memory_space<vmem>>)
      %dma_start3A_416 = arith.constant 5 : i32
      %dma_start3A_417 = arith.constant 1 : i32
      %dma_start3A_418 = arith.constant 0 : i32
      %dma_start3A_419 = arith.constant 0 : i32
      %dma_start3A_420 = tpu.memref_slice %arg8[%dma_start3A_416, %dma_start3A_418, %dma_start3A_419] : memref<13x128x16xf32, #tpu.memory_space<vmem>> -> memref<1x128x16xf32, #tpu.memory_space<vmem>>
      %dma_start3A_421 = tpu.memref_squeeze %dma_start3A_420 : memref<1x128x16xf32, #tpu.memory_space<vmem>> -> memref<128x16xf32, #tpu.memory_space<vmem>>
      %dma_start3A_422 = arith.constant 0 : i32
      %dma_start3A_423 = tpu.memref_slice %arg6[%add3A_402, %dma_start3A_417, %dma_start3A_422] : memref<78x2x128xi32, #tpu.memory_space<vmem>> -> memref<1x1x128xi32, #tpu.memory_space<vmem>>
      %dma_start3A_424 = tpu.memref_squeeze %dma_start3A_423 : memref<1x1x128xi32, #tpu.memory_space<vmem>> -> memref<128xi32, #tpu.memory_space<vmem>>
      %dma_start3A_425 = arith.constant 0 : i32
      %dma_start3A_426 = arith.constant 0 : i32
      %dma_start3A_427 = tpu.memref_slice %arg10[%dma_start3A_425, %dma_start3A_426] : memref<10240x16xf32, #tpu.memory_space<vmem_shared>> -> memref<10240x16xf32, #tpu.memory_space<vmem_shared>>
      tpu.enqueue_indirect_dma source(%dma_start3A_421 : memref<128x16xf32, #tpu.memory_space<vmem>>) target(%dma_start3A_427 : memref<10240x16xf32, #tpu.memory_space<vmem_shared>>) offsets(%dma_start3A_424 : memref<128xi32, #tpu.memory_space<vmem>>) semaphore(%arg30 : memref<!tpu.dma_semaphore, #tpu.memory_space<semaphore_mem>>) {add = true}
      %ge3A_428 = arith.constant 7 : i32
      %ge3A_429 = arith.cmpi sge, %add3A_402, %ge3A_428 : i32
      %convert_element_type3A_430 = arith.extui %ge3A_429 : i1 to i32
      %cond3A_431 = arith.constant 0 : i32
      %cond3A_432 = arith.cmpi ne, %convert_element_type3A_430, %cond3A_431 : i32
      scf.if %cond3A_432 {
        %dma_wait3A_713 = arith.constant 11 : i32
        %dma_wait3A_714 = arith.constant 1 : i32
        %dma_wait3A_715 = arith.constant 0 : i32
        %dma_wait3A_716 = arith.constant 0 : i32
        %dma_wait3A_717 = tpu.memref_slice %arg8[%dma_wait3A_713, %dma_wait3A_715, %dma_wait3A_716] : memref<13x128x16xf32, #tpu.memory_space<vmem>> -> memref<1x128x16xf32, #tpu.memory_space<vmem>>
        %dma_wait3A_718 = tpu.memref_squeeze %dma_wait3A_717 : memref<1x128x16xf32, #tpu.memory_space<vmem>> -> memref<128x16xf32, #tpu.memory_space<vmem>>
        %dma_wait3A_719 = arith.constant 0 : i32
        %dma_wait3A_720 = tpu.memref_slice %arg6[%add3A_402, %dma_wait3A_714, %dma_wait3A_719] : memref<78x2x128xi32, #tpu.memory_space<vmem>> -> memref<1x1x128xi32, #tpu.memory_space<vmem>>
        %dma_wait3A_721 = tpu.memref_squeeze %dma_wait3A_720 : memref<1x1x128xi32, #tpu.memory_space<vmem>> -> memref<128xi32, #tpu.memory_space<vmem>>
        %dma_wait3A_722 = arith.constant 0 : i32
        %dma_wait3A_723 = arith.constant 0 : i32
        %dma_wait3A_724 = tpu.memref_slice %arg10[%dma_wait3A_722, %dma_wait3A_723] : memref<10240x16xf32, #tpu.memory_space<vmem_shared>> -> memref<10240x16xf32, #tpu.memory_space<vmem_shared>>
        tpu.wait_indirect_dma semaphore(%arg36 : memref<!tpu.dma_semaphore, #tpu.memory_space<semaphore_mem>>) src(%dma_wait3A_718 : memref<128x16xf32, #tpu.memory_space<vmem>>) dst(%dma_wait3A_724 : memref<10240x16xf32, #tpu.memory_space<vmem_shared>>)
      } else {
      }
      %add3A_433 = arith.constant 6 : i32
      %add3A_434 = arith.addi %add3A_402, %add3A_433 : i32
      %lt3A_435 = arith.constant 78 : i32
      %lt3A_436 = arith.cmpi slt, %add3A_434, %lt3A_435 : i32
      %convert_element_type3A_437 = arith.extui %lt3A_436 : i1 to i32
      %cond3A_438 = arith.constant 0 : i32
      %cond3A_439 = arith.cmpi ne, %convert_element_type3A_437, %cond3A_438 : i32
      scf.if %cond3A_439 {
        %add3A_713 = arith.constant 6 : i32
        %add3A_714 = arith.addi %add3A_402, %add3A_713 : i32
        %dma_start3A_715 = arith.constant 0 : i32
        %dma_start3A_716 = arith.constant 11 : i32
        %dma_start3A_717 = arith.constant 0 : i32
        %dma_start3A_718 = arith.constant 0 : i32
        %dma_start3A_719 = tpu.memref_slice %arg8[%dma_start3A_716, %dma_start3A_717, %dma_start3A_718] : memref<13x128x16xf32, #tpu.memory_space<vmem>> -> memref<1x128x16xf32, #tpu.memory_space<vmem>>
        %dma_start3A_720 = tpu.memref_squeeze %dma_start3A_719 : memref<1x128x16xf32, #tpu.memory_space<vmem>> -> memref<128x16xf32, #tpu.memory_space<vmem>>
        %dma_start3A_721 = arith.constant 0 : i32
        %dma_start3A_722 = tpu.memref_slice %arg6[%add3A_714, %dma_start3A_715, %dma_start3A_721] : memref<78x2x128xi32, #tpu.memory_space<vmem>> -> memref<1x1x128xi32, #tpu.memory_space<vmem>>
        %dma_start3A_723 = tpu.memref_squeeze %dma_start3A_722 : memref<1x1x128xi32, #tpu.memory_space<vmem>> -> memref<128xi32, #tpu.memory_space<vmem>>
        %dma_start3A_724 = arith.constant 0 : i32
        %dma_start3A_725 = arith.constant 0 : i32
        %dma_start3A_726 = tpu.memref_slice %arg11[%dma_start3A_724, %dma_start3A_725] : memref<10240x16xf32, #tpu.memory_space<vmem_shared>> -> memref<10240x16xf32, #tpu.memory_space<vmem_shared>>
        tpu.enqueue_indirect_dma source(%dma_start3A_726 : memref<10240x16xf32, #tpu.memory_space<vmem_shared>>) target(%dma_start3A_720 : memref<128x16xf32, #tpu.memory_space<vmem>>) offsets(%dma_start3A_723 : memref<128xi32, #tpu.memory_space<vmem>>) semaphore(%arg23 : memref<!tpu.dma_semaphore, #tpu.memory_space<semaphore_mem>>)
      } else {
      }
      %add3A_440 = arith.constant 6 : i32
      %add3A_441 = arith.addi %mul3A_206, %add3A_440 : i32
      %dma_wait3A_442 = arith.constant 6 : i32
      %dma_wait3A_443 = arith.constant 0 : i32
      %dma_wait3A_444 = arith.constant 6 : i32
      %dma_wait3A_445 = arith.constant 0 : i32
      %dma_wait3A_446 = arith.constant 0 : i32
      %dma_wait3A_447 = tpu.memref_slice %arg8[%dma_wait3A_444, %dma_wait3A_445, %dma_wait3A_446] : memref<13x128x16xf32, #tpu.memory_space<vmem>> -> memref<1x128x16xf32, #tpu.memory_space<vmem>>
      %dma_wait3A_448 = tpu.memref_squeeze %dma_wait3A_447 : memref<1x128x16xf32, #tpu.memory_space<vmem>> -> memref<128x16xf32, #tpu.memory_space<vmem>>
      %dma_wait3A_449 = arith.constant 0 : i32
      %dma_wait3A_450 = tpu.memref_slice %arg6[%dma_wait3A_442, %dma_wait3A_443, %dma_wait3A_449] : memref<78x2x128xi32, #tpu.memory_space<vmem>> -> memref<1x1x128xi32, #tpu.memory_space<vmem>>
      %dma_wait3A_451 = tpu.memref_squeeze %dma_wait3A_450 : memref<1x1x128xi32, #tpu.memory_space<vmem>> -> memref<128xi32, #tpu.memory_space<vmem>>
      %dma_wait3A_452 = arith.constant 0 : i32
      %dma_wait3A_453 = arith.constant 0 : i32
      %dma_wait3A_454 = tpu.memref_slice %arg11[%dma_wait3A_452, %dma_wait3A_453] : memref<10240x16xf32, #tpu.memory_space<vmem_shared>> -> memref<10240x16xf32, #tpu.memory_space<vmem_shared>>
      tpu.wait_indirect_dma semaphore(%arg18 : memref<!tpu.dma_semaphore, #tpu.memory_space<semaphore_mem>>) src(%dma_wait3A_454 : memref<10240x16xf32, #tpu.memory_space<vmem_shared>>) dst(%dma_wait3A_448 : memref<128x16xf32, #tpu.memory_space<vmem>>)
      %dma_start3A_455 = arith.constant 6 : i32
      %dma_start3A_456 = arith.constant 1 : i32
      %dma_start3A_457 = arith.constant 0 : i32
      %dma_start3A_458 = arith.constant 0 : i32
      %dma_start3A_459 = tpu.memref_slice %arg8[%dma_start3A_455, %dma_start3A_457, %dma_start3A_458] : memref<13x128x16xf32, #tpu.memory_space<vmem>> -> memref<1x128x16xf32, #tpu.memory_space<vmem>>
      %dma_start3A_460 = tpu.memref_squeeze %dma_start3A_459 : memref<1x128x16xf32, #tpu.memory_space<vmem>> -> memref<128x16xf32, #tpu.memory_space<vmem>>
      %dma_start3A_461 = arith.constant 0 : i32
      %dma_start3A_462 = tpu.memref_slice %arg6[%add3A_441, %dma_start3A_456, %dma_start3A_461] : memref<78x2x128xi32, #tpu.memory_space<vmem>> -> memref<1x1x128xi32, #tpu.memory_space<vmem>>
      %dma_start3A_463 = tpu.memref_squeeze %dma_start3A_462 : memref<1x1x128xi32, #tpu.memory_space<vmem>> -> memref<128xi32, #tpu.memory_space<vmem>>
      %dma_start3A_464 = arith.constant 0 : i32
      %dma_start3A_465 = arith.constant 0 : i32
      %dma_start3A_466 = tpu.memref_slice %arg10[%dma_start3A_464, %dma_start3A_465] : memref<10240x16xf32, #tpu.memory_space<vmem_shared>> -> memref<10240x16xf32, #tpu.memory_space<vmem_shared>>
      tpu.enqueue_indirect_dma source(%dma_start3A_460 : memref<128x16xf32, #tpu.memory_space<vmem>>) target(%dma_start3A_466 : memref<10240x16xf32, #tpu.memory_space<vmem_shared>>) offsets(%dma_start3A_463 : memref<128xi32, #tpu.memory_space<vmem>>) semaphore(%arg31 : memref<!tpu.dma_semaphore, #tpu.memory_space<semaphore_mem>>) {add = true}
      %ge3A_467 = arith.constant 7 : i32
      %ge3A_468 = arith.cmpi sge, %add3A_441, %ge3A_467 : i32
      %convert_element_type3A_469 = arith.extui %ge3A_468 : i1 to i32
      %cond3A_470 = arith.constant 0 : i32
      %cond3A_471 = arith.cmpi ne, %convert_element_type3A_469, %cond3A_470 : i32
      scf.if %cond3A_471 {
        %dma_wait3A_713 = arith.constant 12 : i32
        %dma_wait3A_714 = arith.constant 1 : i32
        %dma_wait3A_715 = arith.constant 0 : i32
        %dma_wait3A_716 = arith.constant 0 : i32
        %dma_wait3A_717 = tpu.memref_slice %arg8[%dma_wait3A_713, %dma_wait3A_715, %dma_wait3A_716] : memref<13x128x16xf32, #tpu.memory_space<vmem>> -> memref<1x128x16xf32, #tpu.memory_space<vmem>>
        %dma_wait3A_718 = tpu.memref_squeeze %dma_wait3A_717 : memref<1x128x16xf32, #tpu.memory_space<vmem>> -> memref<128x16xf32, #tpu.memory_space<vmem>>
        %dma_wait3A_719 = arith.constant 0 : i32
        %dma_wait3A_720 = tpu.memref_slice %arg6[%add3A_441, %dma_wait3A_714, %dma_wait3A_719] : memref<78x2x128xi32, #tpu.memory_space<vmem>> -> memref<1x1x128xi32, #tpu.memory_space<vmem>>
        %dma_wait3A_721 = tpu.memref_squeeze %dma_wait3A_720 : memref<1x1x128xi32, #tpu.memory_space<vmem>> -> memref<128xi32, #tpu.memory_space<vmem>>
        %dma_wait3A_722 = arith.constant 0 : i32
        %dma_wait3A_723 = arith.constant 0 : i32
        %dma_wait3A_724 = tpu.memref_slice %arg10[%dma_wait3A_722, %dma_wait3A_723] : memref<10240x16xf32, #tpu.memory_space<vmem_shared>> -> memref<10240x16xf32, #tpu.memory_space<vmem_shared>>
        tpu.wait_indirect_dma semaphore(%arg37 : memref<!tpu.dma_semaphore, #tpu.memory_space<semaphore_mem>>) src(%dma_wait3A_718 : memref<128x16xf32, #tpu.memory_space<vmem>>) dst(%dma_wait3A_724 : memref<10240x16xf32, #tpu.memory_space<vmem_shared>>)
      } else {
      }
      %add3A_472 = arith.constant 6 : i32
      %add3A_473 = arith.addi %add3A_441, %add3A_472 : i32
      %lt3A_474 = arith.constant 78 : i32
      %lt3A_475 = arith.cmpi slt, %add3A_473, %lt3A_474 : i32
      %convert_element_type3A_476 = arith.extui %lt3A_475 : i1 to i32
      %cond3A_477 = arith.constant 0 : i32
      %cond3A_478 = arith.cmpi ne, %convert_element_type3A_476, %cond3A_477 : i32
      scf.if %cond3A_478 {
        %add3A_713 = arith.constant 6 : i32
        %add3A_714 = arith.addi %add3A_441, %add3A_713 : i32
        %dma_start3A_715 = arith.constant 0 : i32
        %dma_start3A_716 = arith.constant 12 : i32
        %dma_start3A_717 = arith.constant 0 : i32
        %dma_start3A_718 = arith.constant 0 : i32
        %dma_start3A_719 = tpu.memref_slice %arg8[%dma_start3A_716, %dma_start3A_717, %dma_start3A_718] : memref<13x128x16xf32, #tpu.memory_space<vmem>> -> memref<1x128x16xf32, #tpu.memory_space<vmem>>
        %dma_start3A_720 = tpu.memref_squeeze %dma_start3A_719 : memref<1x128x16xf32, #tpu.memory_space<vmem>> -> memref<128x16xf32, #tpu.memory_space<vmem>>
        %dma_start3A_721 = arith.constant 0 : i32
        %dma_start3A_722 = tpu.memref_slice %arg6[%add3A_714, %dma_start3A_715, %dma_start3A_721] : memref<78x2x128xi32, #tpu.memory_space<vmem>> -> memref<1x1x128xi32, #tpu.memory_space<vmem>>
        %dma_start3A_723 = tpu.memref_squeeze %dma_start3A_722 : memref<1x1x128xi32, #tpu.memory_space<vmem>> -> memref<128xi32, #tpu.memory_space<vmem>>
        %dma_start3A_724 = arith.constant 0 : i32
        %dma_start3A_725 = arith.constant 0 : i32
        %dma_start3A_726 = tpu.memref_slice %arg11[%dma_start3A_724, %dma_start3A_725] : memref<10240x16xf32, #tpu.memory_space<vmem_shared>> -> memref<10240x16xf32, #tpu.memory_space<vmem_shared>>
        tpu.enqueue_indirect_dma source(%dma_start3A_726 : memref<10240x16xf32, #tpu.memory_space<vmem_shared>>) target(%dma_start3A_720 : memref<128x16xf32, #tpu.memory_space<vmem>>) offsets(%dma_start3A_723 : memref<128xi32, #tpu.memory_space<vmem>>) semaphore(%arg24 : memref<!tpu.dma_semaphore, #tpu.memory_space<semaphore_mem>>)
      } else {
      }
      %add3A_479 = arith.constant 7 : i32
      %add3A_480 = arith.addi %mul3A_206, %add3A_479 : i32
      %dma_wait3A_481 = arith.constant 7 : i32
      %dma_wait3A_482 = arith.constant 0 : i32
      %dma_wait3A_483 = arith.constant 7 : i32
      %dma_wait3A_484 = arith.constant 0 : i32
      %dma_wait3A_485 = arith.constant 0 : i32
      %dma_wait3A_486 = tpu.memref_slice %arg8[%dma_wait3A_483, %dma_wait3A_484, %dma_wait3A_485] : memref<13x128x16xf32, #tpu.memory_space<vmem>> -> memref<1x128x16xf32, #tpu.memory_space<vmem>>
      %dma_wait3A_487 = tpu.memref_squeeze %dma_wait3A_486 : memref<1x128x16xf32, #tpu.memory_space<vmem>> -> memref<128x16xf32, #tpu.memory_space<vmem>>
      %dma_wait3A_488 = arith.constant 0 : i32
      %dma_wait3A_489 = tpu.memref_slice %arg6[%dma_wait3A_481, %dma_wait3A_482, %dma_wait3A_488] : memref<78x2x128xi32, #tpu.memory_space<vmem>> -> memref<1x1x128xi32, #tpu.memory_space<vmem>>
      %dma_wait3A_490 = tpu.memref_squeeze %dma_wait3A_489 : memref<1x1x128xi32, #tpu.memory_space<vmem>> -> memref<128xi32, #tpu.memory_space<vmem>>
      %dma_wait3A_491 = arith.constant 0 : i32
      %dma_wait3A_492 = arith.constant 0 : i32
      %dma_wait3A_493 = tpu.memref_slice %arg11[%dma_wait3A_491, %dma_wait3A_492] : memref<10240x16xf32, #tpu.memory_space<vmem_shared>> -> memref<10240x16xf32, #tpu.memory_space<vmem_shared>>
      tpu.wait_indirect_dma semaphore(%arg19 : memref<!tpu.dma_semaphore, #tpu.memory_space<semaphore_mem>>) src(%dma_wait3A_493 : memref<10240x16xf32, #tpu.memory_space<vmem_shared>>) dst(%dma_wait3A_487 : memref<128x16xf32, #tpu.memory_space<vmem>>)
      %dma_start3A_494 = arith.constant 7 : i32
      %dma_start3A_495 = arith.constant 1 : i32
      %dma_start3A_496 = arith.constant 0 : i32
      %dma_start3A_497 = arith.constant 0 : i32
      %dma_start3A_498 = tpu.memref_slice %arg8[%dma_start3A_494, %dma_start3A_496, %dma_start3A_497] : memref<13x128x16xf32, #tpu.memory_space<vmem>> -> memref<1x128x16xf32, #tpu.memory_space<vmem>>
      %dma_start3A_499 = tpu.memref_squeeze %dma_start3A_498 : memref<1x128x16xf32, #tpu.memory_space<vmem>> -> memref<128x16xf32, #tpu.memory_space<vmem>>
      %dma_start3A_500 = arith.constant 0 : i32
      %dma_start3A_501 = tpu.memref_slice %arg6[%add3A_480, %dma_start3A_495, %dma_start3A_500] : memref<78x2x128xi32, #tpu.memory_space<vmem>> -> memref<1x1x128xi32, #tpu.memory_space<vmem>>
      %dma_start3A_502 = tpu.memref_squeeze %dma_start3A_501 : memref<1x1x128xi32, #tpu.memory_space<vmem>> -> memref<128xi32, #tpu.memory_space<vmem>>
      %dma_start3A_503 = arith.constant 0 : i32
      %dma_start3A_504 = arith.constant 0 : i32
      %dma_start3A_505 = tpu.memref_slice %arg10[%dma_start3A_503, %dma_start3A_504] : memref<10240x16xf32, #tpu.memory_space<vmem_shared>> -> memref<10240x16xf32, #tpu.memory_space<vmem_shared>>
      tpu.enqueue_indirect_dma source(%dma_start3A_499 : memref<128x16xf32, #tpu.memory_space<vmem>>) target(%dma_start3A_505 : memref<10240x16xf32, #tpu.memory_space<vmem_shared>>) offsets(%dma_start3A_502 : memref<128xi32, #tpu.memory_space<vmem>>) semaphore(%arg32 : memref<!tpu.dma_semaphore, #tpu.memory_space<semaphore_mem>>) {add = true}
      %ge3A_506 = arith.constant 7 : i32
      %ge3A_507 = arith.cmpi sge, %add3A_480, %ge3A_506 : i32
      %convert_element_type3A_508 = arith.extui %ge3A_507 : i1 to i32
      %cond3A_509 = arith.constant 0 : i32
      %cond3A_510 = arith.cmpi ne, %convert_element_type3A_508, %cond3A_509 : i32
      scf.if %cond3A_510 {
        %dma_wait3A_713 = arith.constant 0 : i32
        %dma_wait3A_714 = arith.constant 1 : i32
        %dma_wait3A_715 = arith.constant 0 : i32
        %dma_wait3A_716 = arith.constant 0 : i32
        %dma_wait3A_717 = tpu.memref_slice %arg8[%dma_wait3A_713, %dma_wait3A_715, %dma_wait3A_716] : memref<13x128x16xf32, #tpu.memory_space<vmem>> -> memref<1x128x16xf32, #tpu.memory_space<vmem>>
        %dma_wait3A_718 = tpu.memref_squeeze %dma_wait3A_717 : memref<1x128x16xf32, #tpu.memory_space<vmem>> -> memref<128x16xf32, #tpu.memory_space<vmem>>
        %dma_wait3A_719 = arith.constant 0 : i32
        %dma_wait3A_720 = tpu.memref_slice %arg6[%add3A_480, %dma_wait3A_714, %dma_wait3A_719] : memref<78x2x128xi32, #tpu.memory_space<vmem>> -> memref<1x1x128xi32, #tpu.memory_space<vmem>>
        %dma_wait3A_721 = tpu.memref_squeeze %dma_wait3A_720 : memref<1x1x128xi32, #tpu.memory_space<vmem>> -> memref<128xi32, #tpu.memory_space<vmem>>
        %dma_wait3A_722 = arith.constant 0 : i32
        %dma_wait3A_723 = arith.constant 0 : i32
        %dma_wait3A_724 = tpu.memref_slice %arg10[%dma_wait3A_722, %dma_wait3A_723] : memref<10240x16xf32, #tpu.memory_space<vmem_shared>> -> memref<10240x16xf32, #tpu.memory_space<vmem_shared>>
        tpu.wait_indirect_dma semaphore(%arg25 : memref<!tpu.dma_semaphore, #tpu.memory_space<semaphore_mem>>) src(%dma_wait3A_718 : memref<128x16xf32, #tpu.memory_space<vmem>>) dst(%dma_wait3A_724 : memref<10240x16xf32, #tpu.memory_space<vmem_shared>>)
      } else {
      }
      %add3A_511 = arith.constant 6 : i32
      %add3A_512 = arith.addi %add3A_480, %add3A_511 : i32
      %lt3A_513 = arith.constant 78 : i32
      %lt3A_514 = arith.cmpi slt, %add3A_512, %lt3A_513 : i32
      %convert_element_type3A_515 = arith.extui %lt3A_514 : i1 to i32
      %cond3A_516 = arith.constant 0 : i32
      %cond3A_517 = arith.cmpi ne, %convert_element_type3A_515, %cond3A_516 : i32
      scf.if %cond3A_517 {
        %add3A_713 = arith.constant 6 : i32
        %add3A_714 = arith.addi %add3A_480, %add3A_713 : i32
        %dma_start3A_715 = arith.constant 0 : i32
        %dma_start3A_716 = arith.constant 0 : i32
        %dma_start3A_717 = arith.constant 0 : i32
        %dma_start3A_718 = arith.constant 0 : i32
        %dma_start3A_719 = tpu.memref_slice %arg8[%dma_start3A_716, %dma_start3A_717, %dma_start3A_718] : memref<13x128x16xf32, #tpu.memory_space<vmem>> -> memref<1x128x16xf32, #tpu.memory_space<vmem>>
        %dma_start3A_720 = tpu.memref_squeeze %dma_start3A_719 : memref<1x128x16xf32, #tpu.memory_space<vmem>> -> memref<128x16xf32, #tpu.memory_space<vmem>>
        %dma_start3A_721 = arith.constant 0 : i32
        %dma_start3A_722 = tpu.memref_slice %arg6[%add3A_714, %dma_start3A_715, %dma_start3A_721] : memref<78x2x128xi32, #tpu.memory_space<vmem>> -> memref<1x1x128xi32, #tpu.memory_space<vmem>>
        %dma_start3A_723 = tpu.memref_squeeze %dma_start3A_722 : memref<1x1x128xi32, #tpu.memory_space<vmem>> -> memref<128xi32, #tpu.memory_space<vmem>>
        %dma_start3A_724 = arith.constant 0 : i32
        %dma_start3A_725 = arith.constant 0 : i32
        %dma_start3A_726 = tpu.memref_slice %arg11[%dma_start3A_724, %dma_start3A_725] : memref<10240x16xf32, #tpu.memory_space<vmem_shared>> -> memref<10240x16xf32, #tpu.memory_space<vmem_shared>>
        tpu.enqueue_indirect_dma source(%dma_start3A_726 : memref<10240x16xf32, #tpu.memory_space<vmem_shared>>) target(%dma_start3A_720 : memref<128x16xf32, #tpu.memory_space<vmem>>) offsets(%dma_start3A_723 : memref<128xi32, #tpu.memory_space<vmem>>) semaphore(%arg12 : memref<!tpu.dma_semaphore, #tpu.memory_space<semaphore_mem>>)
      } else {
      }
      %add3A_518 = arith.constant 8 : i32
      %add3A_519 = arith.addi %mul3A_206, %add3A_518 : i32
      %dma_wait3A_520 = arith.constant 8 : i32
      %dma_wait3A_521 = arith.constant 0 : i32
      %dma_wait3A_522 = arith.constant 8 : i32
      %dma_wait3A_523 = arith.constant 0 : i32
      %dma_wait3A_524 = arith.constant 0 : i32
      %dma_wait3A_525 = tpu.memref_slice %arg8[%dma_wait3A_522, %dma_wait3A_523, %dma_wait3A_524] : memref<13x128x16xf32, #tpu.memory_space<vmem>> -> memref<1x128x16xf32, #tpu.memory_space<vmem>>
      %dma_wait3A_526 = tpu.memref_squeeze %dma_wait3A_525 : memref<1x128x16xf32, #tpu.memory_space<vmem>> -> memref<128x16xf32, #tpu.memory_space<vmem>>
      %dma_wait3A_527 = arith.constant 0 : i32
      %dma_wait3A_528 = tpu.memref_slice %arg6[%dma_wait3A_520, %dma_wait3A_521, %dma_wait3A_527] : memref<78x2x128xi32, #tpu.memory_space<vmem>> -> memref<1x1x128xi32, #tpu.memory_space<vmem>>
      %dma_wait3A_529 = tpu.memref_squeeze %dma_wait3A_528 : memref<1x1x128xi32, #tpu.memory_space<vmem>> -> memref<128xi32, #tpu.memory_space<vmem>>
      %dma_wait3A_530 = arith.constant 0 : i32
      %dma_wait3A_531 = arith.constant 0 : i32
      %dma_wait3A_532 = tpu.memref_slice %arg11[%dma_wait3A_530, %dma_wait3A_531] : memref<10240x16xf32, #tpu.memory_space<vmem_shared>> -> memref<10240x16xf32, #tpu.memory_space<vmem_shared>>
      tpu.wait_indirect_dma semaphore(%arg20 : memref<!tpu.dma_semaphore, #tpu.memory_space<semaphore_mem>>) src(%dma_wait3A_532 : memref<10240x16xf32, #tpu.memory_space<vmem_shared>>) dst(%dma_wait3A_526 : memref<128x16xf32, #tpu.memory_space<vmem>>)
      %dma_start3A_533 = arith.constant 8 : i32
      %dma_start3A_534 = arith.constant 1 : i32
      %dma_start3A_535 = arith.constant 0 : i32
      %dma_start3A_536 = arith.constant 0 : i32
      %dma_start3A_537 = tpu.memref_slice %arg8[%dma_start3A_533, %dma_start3A_535, %dma_start3A_536] : memref<13x128x16xf32, #tpu.memory_space<vmem>> -> memref<1x128x16xf32, #tpu.memory_space<vmem>>
      %dma_start3A_538 = tpu.memref_squeeze %dma_start3A_537 : memref<1x128x16xf32, #tpu.memory_space<vmem>> -> memref<128x16xf32, #tpu.memory_space<vmem>>
      %dma_start3A_539 = arith.constant 0 : i32
      %dma_start3A_540 = tpu.memref_slice %arg6[%add3A_519, %dma_start3A_534, %dma_start3A_539] : memref<78x2x128xi32, #tpu.memory_space<vmem>> -> memref<1x1x128xi32, #tpu.memory_space<vmem>>
      %dma_start3A_541 = tpu.memref_squeeze %dma_start3A_540 : memref<1x1x128xi32, #tpu.memory_space<vmem>> -> memref<128xi32, #tpu.memory_space<vmem>>
      %dma_start3A_542 = arith.constant 0 : i32
      %dma_start3A_543 = arith.constant 0 : i32
      %dma_start3A_544 = tpu.memref_slice %arg10[%dma_start3A_542, %dma_start3A_543] : memref<10240x16xf32, #tpu.memory_space<vmem_shared>> -> memref<10240x16xf32, #tpu.memory_space<vmem_shared>>
      tpu.enqueue_indirect_dma source(%dma_start3A_538 : memref<128x16xf32, #tpu.memory_space<vmem>>) target(%dma_start3A_544 : memref<10240x16xf32, #tpu.memory_space<vmem_shared>>) offsets(%dma_start3A_541 : memref<128xi32, #tpu.memory_space<vmem>>) semaphore(%arg33 : memref<!tpu.dma_semaphore, #tpu.memory_space<semaphore_mem>>) {add = true}
      %ge3A_545 = arith.constant 7 : i32
      %ge3A_546 = arith.cmpi sge, %add3A_519, %ge3A_545 : i32
      %convert_element_type3A_547 = arith.extui %ge3A_546 : i1 to i32
      %cond3A_548 = arith.constant 0 : i32
      %cond3A_549 = arith.cmpi ne, %convert_element_type3A_547, %cond3A_548 : i32
      scf.if %cond3A_549 {
        %dma_wait3A_713 = arith.constant 1 : i32
        %dma_wait3A_714 = arith.constant 1 : i32
        %dma_wait3A_715 = arith.constant 0 : i32
        %dma_wait3A_716 = arith.constant 0 : i32
        %dma_wait3A_717 = tpu.memref_slice %arg8[%dma_wait3A_713, %dma_wait3A_715, %dma_wait3A_716] : memref<13x128x16xf32, #tpu.memory_space<vmem>> -> memref<1x128x16xf32, #tpu.memory_space<vmem>>
        %dma_wait3A_718 = tpu.memref_squeeze %dma_wait3A_717 : memref<1x128x16xf32, #tpu.memory_space<vmem>> -> memref<128x16xf32, #tpu.memory_space<vmem>>
        %dma_wait3A_719 = arith.constant 0 : i32
        %dma_wait3A_720 = tpu.memref_slice %arg6[%add3A_519, %dma_wait3A_714, %dma_wait3A_719] : memref<78x2x128xi32, #tpu.memory_space<vmem>> -> memref<1x1x128xi32, #tpu.memory_space<vmem>>
        %dma_wait3A_721 = tpu.memref_squeeze %dma_wait3A_720 : memref<1x1x128xi32, #tpu.memory_space<vmem>> -> memref<128xi32, #tpu.memory_space<vmem>>
        %dma_wait3A_722 = arith.constant 0 : i32
        %dma_wait3A_723 = arith.constant 0 : i32
        %dma_wait3A_724 = tpu.memref_slice %arg10[%dma_wait3A_722, %dma_wait3A_723] : memref<10240x16xf32, #tpu.memory_space<vmem_shared>> -> memref<10240x16xf32, #tpu.memory_space<vmem_shared>>
        tpu.wait_indirect_dma semaphore(%arg26 : memref<!tpu.dma_semaphore, #tpu.memory_space<semaphore_mem>>) src(%dma_wait3A_718 : memref<128x16xf32, #tpu.memory_space<vmem>>) dst(%dma_wait3A_724 : memref<10240x16xf32, #tpu.memory_space<vmem_shared>>)
      } else {
      }
      %add3A_550 = arith.constant 6 : i32
      %add3A_551 = arith.addi %add3A_519, %add3A_550 : i32
      %lt3A_552 = arith.constant 78 : i32
      %lt3A_553 = arith.cmpi slt, %add3A_551, %lt3A_552 : i32
      %convert_element_type3A_554 = arith.extui %lt3A_553 : i1 to i32
      %cond3A_555 = arith.constant 0 : i32
      %cond3A_556 = arith.cmpi ne, %convert_element_type3A_554, %cond3A_555 : i32
      scf.if %cond3A_556 {
        %add3A_713 = arith.constant 6 : i32
        %add3A_714 = arith.addi %add3A_519, %add3A_713 : i32
        %dma_start3A_715 = arith.constant 0 : i32
        %dma_start3A_716 = arith.constant 1 : i32
        %dma_start3A_717 = arith.constant 0 : i32
        %dma_start3A_718 = arith.constant 0 : i32
        %dma_start3A_719 = tpu.memref_slice %arg8[%dma_start3A_716, %dma_start3A_717, %dma_start3A_718] : memref<13x128x16xf32, #tpu.memory_space<vmem>> -> memref<1x128x16xf32, #tpu.memory_space<vmem>>
        %dma_start3A_720 = tpu.memref_squeeze %dma_start3A_719 : memref<1x128x16xf32, #tpu.memory_space<vmem>> -> memref<128x16xf32, #tpu.memory_space<vmem>>
        %dma_start3A_721 = arith.constant 0 : i32
        %dma_start3A_722 = tpu.memref_slice %arg6[%add3A_714, %dma_start3A_715, %dma_start3A_721] : memref<78x2x128xi32, #tpu.memory_space<vmem>> -> memref<1x1x128xi32, #tpu.memory_space<vmem>>
        %dma_start3A_723 = tpu.memref_squeeze %dma_start3A_722 : memref<1x1x128xi32, #tpu.memory_space<vmem>> -> memref<128xi32, #tpu.memory_space<vmem>>
        %dma_start3A_724 = arith.constant 0 : i32
        %dma_start3A_725 = arith.constant 0 : i32
        %dma_start3A_726 = tpu.memref_slice %arg11[%dma_start3A_724, %dma_start3A_725] : memref<10240x16xf32, #tpu.memory_space<vmem_shared>> -> memref<10240x16xf32, #tpu.memory_space<vmem_shared>>
        tpu.enqueue_indirect_dma source(%dma_start3A_726 : memref<10240x16xf32, #tpu.memory_space<vmem_shared>>) target(%dma_start3A_720 : memref<128x16xf32, #tpu.memory_space<vmem>>) offsets(%dma_start3A_723 : memref<128xi32, #tpu.memory_space<vmem>>) semaphore(%arg13 : memref<!tpu.dma_semaphore, #tpu.memory_space<semaphore_mem>>)
      } else {
      }
      %add3A_557 = arith.constant 9 : i32
      %add3A_558 = arith.addi %mul3A_206, %add3A_557 : i32
      %dma_wait3A_559 = arith.constant 9 : i32
      %dma_wait3A_560 = arith.constant 0 : i32
      %dma_wait3A_561 = arith.constant 9 : i32
      %dma_wait3A_562 = arith.constant 0 : i32
      %dma_wait3A_563 = arith.constant 0 : i32
      %dma_wait3A_564 = tpu.memref_slice %arg8[%dma_wait3A_561, %dma_wait3A_562, %dma_wait3A_563] : memref<13x128x16xf32, #tpu.memory_space<vmem>> -> memref<1x128x16xf32, #tpu.memory_space<vmem>>
      %dma_wait3A_565 = tpu.memref_squeeze %dma_wait3A_564 : memref<1x128x16xf32, #tpu.memory_space<vmem>> -> memref<128x16xf32, #tpu.memory_space<vmem>>
      %dma_wait3A_566 = arith.constant 0 : i32
      %dma_wait3A_567 = tpu.memref_slice %arg6[%dma_wait3A_559, %dma_wait3A_560, %dma_wait3A_566] : memref<78x2x128xi32, #tpu.memory_space<vmem>> -> memref<1x1x128xi32, #tpu.memory_space<vmem>>
      %dma_wait3A_568 = tpu.memref_squeeze %dma_wait3A_567 : memref<1x1x128xi32, #tpu.memory_space<vmem>> -> memref<128xi32, #tpu.memory_space<vmem>>
      %dma_wait3A_569 = arith.constant 0 : i32
      %dma_wait3A_570 = arith.constant 0 : i32
      %dma_wait3A_571 = tpu.memref_slice %arg11[%dma_wait3A_569, %dma_wait3A_570] : memref<10240x16xf32, #tpu.memory_space<vmem_shared>> -> memref<10240x16xf32, #tpu.memory_space<vmem_shared>>
      tpu.wait_indirect_dma semaphore(%arg21 : memref<!tpu.dma_semaphore, #tpu.memory_space<semaphore_mem>>) src(%dma_wait3A_571 : memref<10240x16xf32, #tpu.memory_space<vmem_shared>>) dst(%dma_wait3A_565 : memref<128x16xf32, #tpu.memory_space<vmem>>)
      %dma_start3A_572 = arith.constant 9 : i32
      %dma_start3A_573 = arith.constant 1 : i32
      %dma_start3A_574 = arith.constant 0 : i32
      %dma_start3A_575 = arith.constant 0 : i32
      %dma_start3A_576 = tpu.memref_slice %arg8[%dma_start3A_572, %dma_start3A_574, %dma_start3A_575] : memref<13x128x16xf32, #tpu.memory_space<vmem>> -> memref<1x128x16xf32, #tpu.memory_space<vmem>>
      %dma_start3A_577 = tpu.memref_squeeze %dma_start3A_576 : memref<1x128x16xf32, #tpu.memory_space<vmem>> -> memref<128x16xf32, #tpu.memory_space<vmem>>
      %dma_start3A_578 = arith.constant 0 : i32
      %dma_start3A_579 = tpu.memref_slice %arg6[%add3A_558, %dma_start3A_573, %dma_start3A_578] : memref<78x2x128xi32, #tpu.memory_space<vmem>> -> memref<1x1x128xi32, #tpu.memory_space<vmem>>
      %dma_start3A_580 = tpu.memref_squeeze %dma_start3A_579 : memref<1x1x128xi32, #tpu.memory_space<vmem>> -> memref<128xi32, #tpu.memory_space<vmem>>
      %dma_start3A_581 = arith.constant 0 : i32
      %dma_start3A_582 = arith.constant 0 : i32
      %dma_start3A_583 = tpu.memref_slice %arg10[%dma_start3A_581, %dma_start3A_582] : memref<10240x16xf32, #tpu.memory_space<vmem_shared>> -> memref<10240x16xf32, #tpu.memory_space<vmem_shared>>
      tpu.enqueue_indirect_dma source(%dma_start3A_577 : memref<128x16xf32, #tpu.memory_space<vmem>>) target(%dma_start3A_583 : memref<10240x16xf32, #tpu.memory_space<vmem_shared>>) offsets(%dma_start3A_580 : memref<128xi32, #tpu.memory_space<vmem>>) semaphore(%arg34 : memref<!tpu.dma_semaphore, #tpu.memory_space<semaphore_mem>>) {add = true}
      %ge3A_584 = arith.constant 7 : i32
      %ge3A_585 = arith.cmpi sge, %add3A_558, %ge3A_584 : i32
      %convert_element_type3A_586 = arith.extui %ge3A_585 : i1 to i32
      %cond3A_587 = arith.constant 0 : i32
      %cond3A_588 = arith.cmpi ne, %convert_element_type3A_586, %cond3A_587 : i32
      scf.if %cond3A_588 {
        %dma_wait3A_713 = arith.constant 2 : i32
        %dma_wait3A_714 = arith.constant 1 : i32
        %dma_wait3A_715 = arith.constant 0 : i32
        %dma_wait3A_716 = arith.constant 0 : i32
        %dma_wait3A_717 = tpu.memref_slice %arg8[%dma_wait3A_713, %dma_wait3A_715, %dma_wait3A_716] : memref<13x128x16xf32, #tpu.memory_space<vmem>> -> memref<1x128x16xf32, #tpu.memory_space<vmem>>
        %dma_wait3A_718 = tpu.memref_squeeze %dma_wait3A_717 : memref<1x128x16xf32, #tpu.memory_space<vmem>> -> memref<128x16xf32, #tpu.memory_space<vmem>>
        %dma_wait3A_719 = arith.constant 0 : i32
        %dma_wait3A_720 = tpu.memref_slice %arg6[%add3A_558, %dma_wait3A_714, %dma_wait3A_719] : memref<78x2x128xi32, #tpu.memory_space<vmem>> -> memref<1x1x128xi32, #tpu.memory_space<vmem>>
        %dma_wait3A_721 = tpu.memref_squeeze %dma_wait3A_720 : memref<1x1x128xi32, #tpu.memory_space<vmem>> -> memref<128xi32, #tpu.memory_space<vmem>>
        %dma_wait3A_722 = arith.constant 0 : i32
        %dma_wait3A_723 = arith.constant 0 : i32
        %dma_wait3A_724 = tpu.memref_slice %arg10[%dma_wait3A_722, %dma_wait3A_723] : memref<10240x16xf32, #tpu.memory_space<vmem_shared>> -> memref<10240x16xf32, #tpu.memory_space<vmem_shared>>
        tpu.wait_indirect_dma semaphore(%arg27 : memref<!tpu.dma_semaphore, #tpu.memory_space<semaphore_mem>>) src(%dma_wait3A_718 : memref<128x16xf32, #tpu.memory_space<vmem>>) dst(%dma_wait3A_724 : memref<10240x16xf32, #tpu.memory_space<vmem_shared>>)
      } else {
      }
      %add3A_589 = arith.constant 6 : i32
      %add3A_590 = arith.addi %add3A_558, %add3A_589 : i32
      %lt3A_591 = arith.constant 78 : i32
      %lt3A_592 = arith.cmpi slt, %add3A_590, %lt3A_591 : i32
      %convert_element_type3A_593 = arith.extui %lt3A_592 : i1 to i32
      %cond3A_594 = arith.constant 0 : i32
      %cond3A_595 = arith.cmpi ne, %convert_element_type3A_593, %cond3A_594 : i32
      scf.if %cond3A_595 {
        %add3A_713 = arith.constant 6 : i32
        %add3A_714 = arith.addi %add3A_558, %add3A_713 : i32
        %dma_start3A_715 = arith.constant 0 : i32
        %dma_start3A_716 = arith.constant 2 : i32
        %dma_start3A_717 = arith.constant 0 : i32
        %dma_start3A_718 = arith.constant 0 : i32
        %dma_start3A_719 = tpu.memref_slice %arg8[%dma_start3A_716, %dma_start3A_717, %dma_start3A_718] : memref<13x128x16xf32, #tpu.memory_space<vmem>> -> memref<1x128x16xf32, #tpu.memory_space<vmem>>
        %dma_start3A_720 = tpu.memref_squeeze %dma_start3A_719 : memref<1x128x16xf32, #tpu.memory_space<vmem>> -> memref<128x16xf32, #tpu.memory_space<vmem>>
        %dma_start3A_721 = arith.constant 0 : i32
        %dma_start3A_722 = tpu.memref_slice %arg6[%add3A_714, %dma_start3A_715, %dma_start3A_721] : memref<78x2x128xi32, #tpu.memory_space<vmem>> -> memref<1x1x128xi32, #tpu.memory_space<vmem>>
        %dma_start3A_723 = tpu.memref_squeeze %dma_start3A_722 : memref<1x1x128xi32, #tpu.memory_space<vmem>> -> memref<128xi32, #tpu.memory_space<vmem>>
        %dma_start3A_724 = arith.constant 0 : i32
        %dma_start3A_725 = arith.constant 0 : i32
        %dma_start3A_726 = tpu.memref_slice %arg11[%dma_start3A_724, %dma_start3A_725] : memref<10240x16xf32, #tpu.memory_space<vmem_shared>> -> memref<10240x16xf32, #tpu.memory_space<vmem_shared>>
        tpu.enqueue_indirect_dma source(%dma_start3A_726 : memref<10240x16xf32, #tpu.memory_space<vmem_shared>>) target(%dma_start3A_720 : memref<128x16xf32, #tpu.memory_space<vmem>>) offsets(%dma_start3A_723 : memref<128xi32, #tpu.memory_space<vmem>>) semaphore(%arg14 : memref<!tpu.dma_semaphore, #tpu.memory_space<semaphore_mem>>)
      } else {
      }
      %add3A_596 = arith.constant 10 : i32
      %add3A_597 = arith.addi %mul3A_206, %add3A_596 : i32
      %dma_wait3A_598 = arith.constant 10 : i32
      %dma_wait3A_599 = arith.constant 0 : i32
      %dma_wait3A_600 = arith.constant 10 : i32
      %dma_wait3A_601 = arith.constant 0 : i32
      %dma_wait3A_602 = arith.constant 0 : i32
      %dma_wait3A_603 = tpu.memref_slice %arg8[%dma_wait3A_600, %dma_wait3A_601, %dma_wait3A_602] : memref<13x128x16xf32, #tpu.memory_space<vmem>> -> memref<1x128x16xf32, #tpu.memory_space<vmem>>
      %dma_wait3A_604 = tpu.memref_squeeze %dma_wait3A_603 : memref<1x128x16xf32, #tpu.memory_space<vmem>> -> memref<128x16xf32, #tpu.memory_space<vmem>>
      %dma_wait3A_605 = arith.constant 0 : i32
      %dma_wait3A_606 = tpu.memref_slice %arg6[%dma_wait3A_598, %dma_wait3A_599, %dma_wait3A_605] : memref<78x2x128xi32, #tpu.memory_space<vmem>> -> memref<1x1x128xi32, #tpu.memory_space<vmem>>
      %dma_wait3A_607 = tpu.memref_squeeze %dma_wait3A_606 : memref<1x1x128xi32, #tpu.memory_space<vmem>> -> memref<128xi32, #tpu.memory_space<vmem>>
      %dma_wait3A_608 = arith.constant 0 : i32
      %dma_wait3A_609 = arith.constant 0 : i32
      %dma_wait3A_610 = tpu.memref_slice %arg11[%dma_wait3A_608, %dma_wait3A_609] : memref<10240x16xf32, #tpu.memory_space<vmem_shared>> -> memref<10240x16xf32, #tpu.memory_space<vmem_shared>>
      tpu.wait_indirect_dma semaphore(%arg22 : memref<!tpu.dma_semaphore, #tpu.memory_space<semaphore_mem>>) src(%dma_wait3A_610 : memref<10240x16xf32, #tpu.memory_space<vmem_shared>>) dst(%dma_wait3A_604 : memref<128x16xf32, #tpu.memory_space<vmem>>)
      %dma_start3A_611 = arith.constant 10 : i32
      %dma_start3A_612 = arith.constant 1 : i32
      %dma_start3A_613 = arith.constant 0 : i32
      %dma_start3A_614 = arith.constant 0 : i32
      %dma_start3A_615 = tpu.memref_slice %arg8[%dma_start3A_611, %dma_start3A_613, %dma_start3A_614] : memref<13x128x16xf32, #tpu.memory_space<vmem>> -> memref<1x128x16xf32, #tpu.memory_space<vmem>>
      %dma_start3A_616 = tpu.memref_squeeze %dma_start3A_615 : memref<1x128x16xf32, #tpu.memory_space<vmem>> -> memref<128x16xf32, #tpu.memory_space<vmem>>
      %dma_start3A_617 = arith.constant 0 : i32
      %dma_start3A_618 = tpu.memref_slice %arg6[%add3A_597, %dma_start3A_612, %dma_start3A_617] : memref<78x2x128xi32, #tpu.memory_space<vmem>> -> memref<1x1x128xi32, #tpu.memory_space<vmem>>
      %dma_start3A_619 = tpu.memref_squeeze %dma_start3A_618 : memref<1x1x128xi32, #tpu.memory_space<vmem>> -> memref<128xi32, #tpu.memory_space<vmem>>
      %dma_start3A_620 = arith.constant 0 : i32
      %dma_start3A_621 = arith.constant 0 : i32
      %dma_start3A_622 = tpu.memref_slice %arg10[%dma_start3A_620, %dma_start3A_621] : memref<10240x16xf32, #tpu.memory_space<vmem_shared>> -> memref<10240x16xf32, #tpu.memory_space<vmem_shared>>
      tpu.enqueue_indirect_dma source(%dma_start3A_616 : memref<128x16xf32, #tpu.memory_space<vmem>>) target(%dma_start3A_622 : memref<10240x16xf32, #tpu.memory_space<vmem_shared>>) offsets(%dma_start3A_619 : memref<128xi32, #tpu.memory_space<vmem>>) semaphore(%arg35 : memref<!tpu.dma_semaphore, #tpu.memory_space<semaphore_mem>>) {add = true}
      %ge3A_623 = arith.constant 7 : i32
      %ge3A_624 = arith.cmpi sge, %add3A_597, %ge3A_623 : i32
      %convert_element_type3A_625 = arith.extui %ge3A_624 : i1 to i32
      %cond3A_626 = arith.constant 0 : i32
      %cond3A_627 = arith.cmpi ne, %convert_element_type3A_625, %cond3A_626 : i32
      scf.if %cond3A_627 {
        %dma_wait3A_713 = arith.constant 3 : i32
        %dma_wait3A_714 = arith.constant 1 : i32
        %dma_wait3A_715 = arith.constant 0 : i32
        %dma_wait3A_716 = arith.constant 0 : i32
        %dma_wait3A_717 = tpu.memref_slice %arg8[%dma_wait3A_713, %dma_wait3A_715, %dma_wait3A_716] : memref<13x128x16xf32, #tpu.memory_space<vmem>> -> memref<1x128x16xf32, #tpu.memory_space<vmem>>
        %dma_wait3A_718 = tpu.memref_squeeze %dma_wait3A_717 : memref<1x128x16xf32, #tpu.memory_space<vmem>> -> memref<128x16xf32, #tpu.memory_space<vmem>>
        %dma_wait3A_719 = arith.constant 0 : i32
        %dma_wait3A_720 = tpu.memref_slice %arg6[%add3A_597, %dma_wait3A_714, %dma_wait3A_719] : memref<78x2x128xi32, #tpu.memory_space<vmem>> -> memref<1x1x128xi32, #tpu.memory_space<vmem>>
        %dma_wait3A_721 = tpu.memref_squeeze %dma_wait3A_720 : memref<1x1x128xi32, #tpu.memory_space<vmem>> -> memref<128xi32, #tpu.memory_space<vmem>>
        %dma_wait3A_722 = arith.constant 0 : i32
        %dma_wait3A_723 = arith.constant 0 : i32
        %dma_wait3A_724 = tpu.memref_slice %arg10[%dma_wait3A_722, %dma_wait3A_723] : memref<10240x16xf32, #tpu.memory_space<vmem_shared>> -> memref<10240x16xf32, #tpu.memory_space<vmem_shared>>
        tpu.wait_indirect_dma semaphore(%arg28 : memref<!tpu.dma_semaphore, #tpu.memory_space<semaphore_mem>>) src(%dma_wait3A_718 : memref<128x16xf32, #tpu.memory_space<vmem>>) dst(%dma_wait3A_724 : memref<10240x16xf32, #tpu.memory_space<vmem_shared>>)
      } else {
      }
      %add3A_628 = arith.constant 6 : i32
      %add3A_629 = arith.addi %add3A_597, %add3A_628 : i32
      %lt3A_630 = arith.constant 78 : i32
      %lt3A_631 = arith.cmpi slt, %add3A_629, %lt3A_630 : i32
      %convert_element_type3A_632 = arith.extui %lt3A_631 : i1 to i32
      %cond3A_633 = arith.constant 0 : i32
      %cond3A_634 = arith.cmpi ne, %convert_element_type3A_632, %cond3A_633 : i32
      scf.if %cond3A_634 {
        %add3A_713 = arith.constant 6 : i32
        %add3A_714 = arith.addi %add3A_597, %add3A_713 : i32
        %dma_start3A_715 = arith.constant 0 : i32
        %dma_start3A_716 = arith.constant 3 : i32
        %dma_start3A_717 = arith.constant 0 : i32
        %dma_start3A_718 = arith.constant 0 : i32
        %dma_start3A_719 = tpu.memref_slice %arg8[%dma_start3A_716, %dma_start3A_717, %dma_start3A_718] : memref<13x128x16xf32, #tpu.memory_space<vmem>> -> memref<1x128x16xf32, #tpu.memory_space<vmem>>
        %dma_start3A_720 = tpu.memref_squeeze %dma_start3A_719 : memref<1x128x16xf32, #tpu.memory_space<vmem>> -> memref<128x16xf32, #tpu.memory_space<vmem>>
        %dma_start3A_721 = arith.constant 0 : i32
        %dma_start3A_722 = tpu.memref_slice %arg6[%add3A_714, %dma_start3A_715, %dma_start3A_721] : memref<78x2x128xi32, #tpu.memory_space<vmem>> -> memref<1x1x128xi32, #tpu.memory_space<vmem>>
        %dma_start3A_723 = tpu.memref_squeeze %dma_start3A_722 : memref<1x1x128xi32, #tpu.memory_space<vmem>> -> memref<128xi32, #tpu.memory_space<vmem>>
        %dma_start3A_724 = arith.constant 0 : i32
        %dma_start3A_725 = arith.constant 0 : i32
        %dma_start3A_726 = tpu.memref_slice %arg11[%dma_start3A_724, %dma_start3A_725] : memref<10240x16xf32, #tpu.memory_space<vmem_shared>> -> memref<10240x16xf32, #tpu.memory_space<vmem_shared>>
        tpu.enqueue_indirect_dma source(%dma_start3A_726 : memref<10240x16xf32, #tpu.memory_space<vmem_shared>>) target(%dma_start3A_720 : memref<128x16xf32, #tpu.memory_space<vmem>>) offsets(%dma_start3A_723 : memref<128xi32, #tpu.memory_space<vmem>>) semaphore(%arg15 : memref<!tpu.dma_semaphore, #tpu.memory_space<semaphore_mem>>)
      } else {
      }
      %add3A_635 = arith.constant 11 : i32
      %add3A_636 = arith.addi %mul3A_206, %add3A_635 : i32
      %dma_wait3A_637 = arith.constant 11 : i32
      %dma_wait3A_638 = arith.constant 0 : i32
      %dma_wait3A_639 = arith.constant 11 : i32
      %dma_wait3A_640 = arith.constant 0 : i32
      %dma_wait3A_641 = arith.constant 0 : i32
      %dma_wait3A_642 = tpu.memref_slice %arg8[%dma_wait3A_639, %dma_wait3A_640, %dma_wait3A_641] : memref<13x128x16xf32, #tpu.memory_space<vmem>> -> memref<1x128x16xf32, #tpu.memory_space<vmem>>
      %dma_wait3A_643 = tpu.memref_squeeze %dma_wait3A_642 : memref<1x128x16xf32, #tpu.memory_space<vmem>> -> memref<128x16xf32, #tpu.memory_space<vmem>>
      %dma_wait3A_644 = arith.constant 0 : i32
      %dma_wait3A_645 = tpu.memref_slice %arg6[%dma_wait3A_637, %dma_wait3A_638, %dma_wait3A_644] : memref<78x2x128xi32, #tpu.memory_space<vmem>> -> memref<1x1x128xi32, #tpu.memory_space<vmem>>
      %dma_wait3A_646 = tpu.memref_squeeze %dma_wait3A_645 : memref<1x1x128xi32, #tpu.memory_space<vmem>> -> memref<128xi32, #tpu.memory_space<vmem>>
      %dma_wait3A_647 = arith.constant 0 : i32
      %dma_wait3A_648 = arith.constant 0 : i32
      %dma_wait3A_649 = tpu.memref_slice %arg11[%dma_wait3A_647, %dma_wait3A_648] : memref<10240x16xf32, #tpu.memory_space<vmem_shared>> -> memref<10240x16xf32, #tpu.memory_space<vmem_shared>>
      tpu.wait_indirect_dma semaphore(%arg23 : memref<!tpu.dma_semaphore, #tpu.memory_space<semaphore_mem>>) src(%dma_wait3A_649 : memref<10240x16xf32, #tpu.memory_space<vmem_shared>>) dst(%dma_wait3A_643 : memref<128x16xf32, #tpu.memory_space<vmem>>)
      %dma_start3A_650 = arith.constant 11 : i32
      %dma_start3A_651 = arith.constant 1 : i32
      %dma_start3A_652 = arith.constant 0 : i32
      %dma_start3A_653 = arith.constant 0 : i32
      %dma_start3A_654 = tpu.memref_slice %arg8[%dma_start3A_650, %dma_start3A_652, %dma_start3A_653] : memref<13x128x16xf32, #tpu.memory_space<vmem>> -> memref<1x128x16xf32, #tpu.memory_space<vmem>>
      %dma_start3A_655 = tpu.memref_squeeze %dma_start3A_654 : memref<1x128x16xf32, #tpu.memory_space<vmem>> -> memref<128x16xf32, #tpu.memory_space<vmem>>
      %dma_start3A_656 = arith.constant 0 : i32
      %dma_start3A_657 = tpu.memref_slice %arg6[%add3A_636, %dma_start3A_651, %dma_start3A_656] : memref<78x2x128xi32, #tpu.memory_space<vmem>> -> memref<1x1x128xi32, #tpu.memory_space<vmem>>
      %dma_start3A_658 = tpu.memref_squeeze %dma_start3A_657 : memref<1x1x128xi32, #tpu.memory_space<vmem>> -> memref<128xi32, #tpu.memory_space<vmem>>
      %dma_start3A_659 = arith.constant 0 : i32
      %dma_start3A_660 = arith.constant 0 : i32
      %dma_start3A_661 = tpu.memref_slice %arg10[%dma_start3A_659, %dma_start3A_660] : memref<10240x16xf32, #tpu.memory_space<vmem_shared>> -> memref<10240x16xf32, #tpu.memory_space<vmem_shared>>
      tpu.enqueue_indirect_dma source(%dma_start3A_655 : memref<128x16xf32, #tpu.memory_space<vmem>>) target(%dma_start3A_661 : memref<10240x16xf32, #tpu.memory_space<vmem_shared>>) offsets(%dma_start3A_658 : memref<128xi32, #tpu.memory_space<vmem>>) semaphore(%arg36 : memref<!tpu.dma_semaphore, #tpu.memory_space<semaphore_mem>>) {add = true}
      %ge3A_662 = arith.constant 7 : i32
      %ge3A_663 = arith.cmpi sge, %add3A_636, %ge3A_662 : i32
      %convert_element_type3A_664 = arith.extui %ge3A_663 : i1 to i32
      %cond3A_665 = arith.constant 0 : i32
      %cond3A_666 = arith.cmpi ne, %convert_element_type3A_664, %cond3A_665 : i32
      scf.if %cond3A_666 {
        %dma_wait3A_713 = arith.constant 4 : i32
        %dma_wait3A_714 = arith.constant 1 : i32
        %dma_wait3A_715 = arith.constant 0 : i32
        %dma_wait3A_716 = arith.constant 0 : i32
        %dma_wait3A_717 = tpu.memref_slice %arg8[%dma_wait3A_713, %dma_wait3A_715, %dma_wait3A_716] : memref<13x128x16xf32, #tpu.memory_space<vmem>> -> memref<1x128x16xf32, #tpu.memory_space<vmem>>
        %dma_wait3A_718 = tpu.memref_squeeze %dma_wait3A_717 : memref<1x128x16xf32, #tpu.memory_space<vmem>> -> memref<128x16xf32, #tpu.memory_space<vmem>>
        %dma_wait3A_719 = arith.constant 0 : i32
        %dma_wait3A_720 = tpu.memref_slice %arg6[%add3A_636, %dma_wait3A_714, %dma_wait3A_719] : memref<78x2x128xi32, #tpu.memory_space<vmem>> -> memref<1x1x128xi32, #tpu.memory_space<vmem>>
        %dma_wait3A_721 = tpu.memref_squeeze %dma_wait3A_720 : memref<1x1x128xi32, #tpu.memory_space<vmem>> -> memref<128xi32, #tpu.memory_space<vmem>>
        %dma_wait3A_722 = arith.constant 0 : i32
        %dma_wait3A_723 = arith.constant 0 : i32
        %dma_wait3A_724 = tpu.memref_slice %arg10[%dma_wait3A_722, %dma_wait3A_723] : memref<10240x16xf32, #tpu.memory_space<vmem_shared>> -> memref<10240x16xf32, #tpu.memory_space<vmem_shared>>
        tpu.wait_indirect_dma semaphore(%arg29 : memref<!tpu.dma_semaphore, #tpu.memory_space<semaphore_mem>>) src(%dma_wait3A_718 : memref<128x16xf32, #tpu.memory_space<vmem>>) dst(%dma_wait3A_724 : memref<10240x16xf32, #tpu.memory_space<vmem_shared>>)
      } else {
      }
      %add3A_667 = arith.constant 6 : i32
      %add3A_668 = arith.addi %add3A_636, %add3A_667 : i32
      %lt3A_669 = arith.constant 78 : i32
      %lt3A_670 = arith.cmpi slt, %add3A_668, %lt3A_669 : i32
      %convert_element_type3A_671 = arith.extui %lt3A_670 : i1 to i32
      %cond3A_672 = arith.constant 0 : i32
      %cond3A_673 = arith.cmpi ne, %convert_element_type3A_671, %cond3A_672 : i32
      scf.if %cond3A_673 {
        %add3A_713 = arith.constant 6 : i32
        %add3A_714 = arith.addi %add3A_636, %add3A_713 : i32
        %dma_start3A_715 = arith.constant 0 : i32
        %dma_start3A_716 = arith.constant 4 : i32
        %dma_start3A_717 = arith.constant 0 : i32
        %dma_start3A_718 = arith.constant 0 : i32
        %dma_start3A_719 = tpu.memref_slice %arg8[%dma_start3A_716, %dma_start3A_717, %dma_start3A_718] : memref<13x128x16xf32, #tpu.memory_space<vmem>> -> memref<1x128x16xf32, #tpu.memory_space<vmem>>
        %dma_start3A_720 = tpu.memref_squeeze %dma_start3A_719 : memref<1x128x16xf32, #tpu.memory_space<vmem>> -> memref<128x16xf32, #tpu.memory_space<vmem>>
        %dma_start3A_721 = arith.constant 0 : i32
        %dma_start3A_722 = tpu.memref_slice %arg6[%add3A_714, %dma_start3A_715, %dma_start3A_721] : memref<78x2x128xi32, #tpu.memory_space<vmem>> -> memref<1x1x128xi32, #tpu.memory_space<vmem>>
        %dma_start3A_723 = tpu.memref_squeeze %dma_start3A_722 : memref<1x1x128xi32, #tpu.memory_space<vmem>> -> memref<128xi32, #tpu.memory_space<vmem>>
        %dma_start3A_724 = arith.constant 0 : i32
        %dma_start3A_725 = arith.constant 0 : i32
        %dma_start3A_726 = tpu.memref_slice %arg11[%dma_start3A_724, %dma_start3A_725] : memref<10240x16xf32, #tpu.memory_space<vmem_shared>> -> memref<10240x16xf32, #tpu.memory_space<vmem_shared>>
        tpu.enqueue_indirect_dma source(%dma_start3A_726 : memref<10240x16xf32, #tpu.memory_space<vmem_shared>>) target(%dma_start3A_720 : memref<128x16xf32, #tpu.memory_space<vmem>>) offsets(%dma_start3A_723 : memref<128xi32, #tpu.memory_space<vmem>>) semaphore(%arg16 : memref<!tpu.dma_semaphore, #tpu.memory_space<semaphore_mem>>)
      } else {
      }
      %add3A_674 = arith.constant 12 : i32
      %add3A_675 = arith.addi %mul3A_206, %add3A_674 : i32
      %dma_wait3A_676 = arith.constant 12 : i32
      %dma_wait3A_677 = arith.constant 0 : i32
      %dma_wait3A_678 = arith.constant 12 : i32
      %dma_wait3A_679 = arith.constant 0 : i32
      %dma_wait3A_680 = arith.constant 0 : i32
      %dma_wait3A_681 = tpu.memref_slice %arg8[%dma_wait3A_678, %dma_wait3A_679, %dma_wait3A_680] : memref<13x128x16xf32, #tpu.memory_space<vmem>> -> memref<1x128x16xf32, #tpu.memory_space<vmem>>
      %dma_wait3A_682 = tpu.memref_squeeze %dma_wait3A_681 : memref<1x128x16xf32, #tpu.memory_space<vmem>> -> memref<128x16xf32, #tpu.memory_space<vmem>>
      %dma_wait3A_683 = arith.constant 0 : i32
      %dma_wait3A_684 = tpu.memref_slice %arg6[%dma_wait3A_676, %dma_wait3A_677, %dma_wait3A_683] : memref<78x2x128xi32, #tpu.memory_space<vmem>> -> memref<1x1x128xi32, #tpu.memory_space<vmem>>
      %dma_wait3A_685 = tpu.memref_squeeze %dma_wait3A_684 : memref<1x1x128xi32, #tpu.memory_space<vmem>> -> memref<128xi32, #tpu.memory_space<vmem>>
      %dma_wait3A_686 = arith.constant 0 : i32
      %dma_wait3A_687 = arith.constant 0 : i32
      %dma_wait3A_688 = tpu.memref_slice %arg11[%dma_wait3A_686, %dma_wait3A_687] : memref<10240x16xf32, #tpu.memory_space<vmem_shared>> -> memref<10240x16xf32, #tpu.memory_space<vmem_shared>>
      tpu.wait_indirect_dma semaphore(%arg24 : memref<!tpu.dma_semaphore, #tpu.memory_space<semaphore_mem>>) src(%dma_wait3A_688 : memref<10240x16xf32, #tpu.memory_space<vmem_shared>>) dst(%dma_wait3A_682 : memref<128x16xf32, #tpu.memory_space<vmem>>)
      %dma_start3A_689 = arith.constant 12 : i32
      %dma_start3A_690 = arith.constant 1 : i32
      %dma_start3A_691 = arith.constant 0 : i32
      %dma_start3A_692 = arith.constant 0 : i32
      %dma_start3A_693 = tpu.memref_slice %arg8[%dma_start3A_689, %dma_start3A_691, %dma_start3A_692] : memref<13x128x16xf32, #tpu.memory_space<vmem>> -> memref<1x128x16xf32, #tpu.memory_space<vmem>>
      %dma_start3A_694 = tpu.memref_squeeze %dma_start3A_693 : memref<1x128x16xf32, #tpu.memory_space<vmem>> -> memref<128x16xf32, #tpu.memory_space<vmem>>
      %dma_start3A_695 = arith.constant 0 : i32
      %dma_start3A_696 = tpu.memref_slice %arg6[%add3A_675, %dma_start3A_690, %dma_start3A_695] : memref<78x2x128xi32, #tpu.memory_space<vmem>> -> memref<1x1x128xi32, #tpu.memory_space<vmem>>
      %dma_start3A_697 = tpu.memref_squeeze %dma_start3A_696 : memref<1x1x128xi32, #tpu.memory_space<vmem>> -> memref<128xi32, #tpu.memory_space<vmem>>
      %dma_start3A_698 = arith.constant 0 : i32
      %dma_start3A_699 = arith.constant 0 : i32
      %dma_start3A_700 = tpu.memref_slice %arg10[%dma_start3A_698, %dma_start3A_699] : memref<10240x16xf32, #tpu.memory_space<vmem_shared>> -> memref<10240x16xf32, #tpu.memory_space<vmem_shared>>
      tpu.enqueue_indirect_dma source(%dma_start3A_694 : memref<128x16xf32, #tpu.memory_space<vmem>>) target(%dma_start3A_700 : memref<10240x16xf32, #tpu.memory_space<vmem_shared>>) offsets(%dma_start3A_697 : memref<128xi32, #tpu.memory_space<vmem>>) semaphore(%arg37 : memref<!tpu.dma_semaphore, #tpu.memory_space<semaphore_mem>>) {add = true}
      %ge3A_701 = arith.constant 7 : i32
      %ge3A_702 = arith.cmpi sge, %add3A_675, %ge3A_701 : i32
      %convert_element_type3A_703 = arith.extui %ge3A_702 : i1 to i32
      %cond3A_704 = arith.constant 0 : i32
      %cond3A_705 = arith.cmpi ne, %convert_element_type3A_703, %cond3A_704 : i32
      scf.if %cond3A_705 {
        %dma_wait3A_713 = arith.constant 5 : i32
        %dma_wait3A_714 = arith.constant 1 : i32
        %dma_wait3A_715 = arith.constant 0 : i32
        %dma_wait3A_716 = arith.constant 0 : i32
        %dma_wait3A_717 = tpu.memref_slice %arg8[%dma_wait3A_713, %dma_wait3A_715, %dma_wait3A_716] : memref<13x128x16xf32, #tpu.memory_space<vmem>> -> memref<1x128x16xf32, #tpu.memory_space<vmem>>
        %dma_wait3A_718 = tpu.memref_squeeze %dma_wait3A_717 : memref<1x128x16xf32, #tpu.memory_space<vmem>> -> memref<128x16xf32, #tpu.memory_space<vmem>>
        %dma_wait3A_719 = arith.constant 0 : i32
        %dma_wait3A_720 = tpu.memref_slice %arg6[%add3A_675, %dma_wait3A_714, %dma_wait3A_719] : memref<78x2x128xi32, #tpu.memory_space<vmem>> -> memref<1x1x128xi32, #tpu.memory_space<vmem>>
        %dma_wait3A_721 = tpu.memref_squeeze %dma_wait3A_720 : memref<1x1x128xi32, #tpu.memory_space<vmem>> -> memref<128xi32, #tpu.memory_space<vmem>>
        %dma_wait3A_722 = arith.constant 0 : i32
        %dma_wait3A_723 = arith.constant 0 : i32
        %dma_wait3A_724 = tpu.memref_slice %arg10[%dma_wait3A_722, %dma_wait3A_723] : memref<10240x16xf32, #tpu.memory_space<vmem_shared>> -> memref<10240x16xf32, #tpu.memory_space<vmem_shared>>
        tpu.wait_indirect_dma semaphore(%arg30 : memref<!tpu.dma_semaphore, #tpu.memory_space<semaphore_mem>>) src(%dma_wait3A_718 : memref<128x16xf32, #tpu.memory_space<vmem>>) dst(%dma_wait3A_724 : memref<10240x16xf32, #tpu.memory_space<vmem_shared>>)
      } else {
      }
      %add3A_706 = arith.constant 6 : i32
      %add3A_707 = arith.addi %add3A_675, %add3A_706 : i32
      %lt3A_708 = arith.constant 78 : i32
      %lt3A_709 = arith.cmpi slt, %add3A_707, %lt3A_708 : i32
      %convert_element_type3A_710 = arith.extui %lt3A_709 : i1 to i32
      %cond3A_711 = arith.constant 0 : i32
      %cond3A_712 = arith.cmpi ne, %convert_element_type3A_710, %cond3A_711 : i32
      scf.if %cond3A_712 {
        %add3A_713 = arith.constant 6 : i32
        %add3A_714 = arith.addi %add3A_675, %add3A_713 : i32
        %dma_start3A_715 = arith.constant 0 : i32
        %dma_start3A_716 = arith.constant 5 : i32
        %dma_start3A_717 = arith.constant 0 : i32
        %dma_start3A_718 = arith.constant 0 : i32
        %dma_start3A_719 = tpu.memref_slice %arg8[%dma_start3A_716, %dma_start3A_717, %dma_start3A_718] : memref<13x128x16xf32, #tpu.memory_space<vmem>> -> memref<1x128x16xf32, #tpu.memory_space<vmem>>
        %dma_start3A_720 = tpu.memref_squeeze %dma_start3A_719 : memref<1x128x16xf32, #tpu.memory_space<vmem>> -> memref<128x16xf32, #tpu.memory_space<vmem>>
        %dma_start3A_721 = arith.constant 0 : i32
        %dma_start3A_722 = tpu.memref_slice %arg6[%add3A_714, %dma_start3A_715, %dma_start3A_721] : memref<78x2x128xi32, #tpu.memory_space<vmem>> -> memref<1x1x128xi32, #tpu.memory_space<vmem>>
        %dma_start3A_723 = tpu.memref_squeeze %dma_start3A_722 : memref<1x1x128xi32, #tpu.memory_space<vmem>> -> memref<128xi32, #tpu.memory_space<vmem>>
        %dma_start3A_724 = arith.constant 0 : i32
        %dma_start3A_725 = arith.constant 0 : i32
        %dma_start3A_726 = tpu.memref_slice %arg11[%dma_start3A_724, %dma_start3A_725] : memref<10240x16xf32, #tpu.memory_space<vmem_shared>> -> memref<10240x16xf32, #tpu.memory_space<vmem_shared>>
        tpu.enqueue_indirect_dma source(%dma_start3A_726 : memref<10240x16xf32, #tpu.memory_space<vmem_shared>>) target(%dma_start3A_720 : memref<128x16xf32, #tpu.memory_space<vmem>>) offsets(%dma_start3A_723 : memref<128xi32, #tpu.memory_space<vmem>>) semaphore(%arg17 : memref<!tpu.dma_semaphore, #tpu.memory_space<semaphore_mem>>)
      } else {
      }
    }
    %scan3A_98 = arith.constant 6 : i32
    %dma_wait3A = arith.constant 6 : i32
    %dma_wait3A_99 = arith.constant 0 : i32
    %dma_wait3A_100 = arith.constant 1 : i32
    %dma_wait3A_101 = arith.constant 0 : i32
    %dma_wait3A_102 = arith.constant 0 : i32
    %dma_wait3A_103 = tpu.memref_slice %arg8[%dma_wait3A, %dma_wait3A_101, %dma_wait3A_102] : memref<13x128x16xf32, #tpu.memory_space<vmem>> -> memref<1x128x16xf32, #tpu.memory_space<vmem>>
    %dma_wait3A_104 = tpu.memref_squeeze %dma_wait3A_103 : memref<1x128x16xf32, #tpu.memory_space<vmem>> -> memref<128x16xf32, #tpu.memory_space<vmem>>
    %dma_wait3A_105 = arith.constant 0 : i32
    %dma_wait3A_106 = tpu.memref_slice %arg6[%dma_wait3A_99, %dma_wait3A_100, %dma_wait3A_105] : memref<78x2x128xi32, #tpu.memory_space<vmem>> -> memref<1x1x128xi32, #tpu.memory_space<vmem>>
    %dma_wait3A_107 = tpu.memref_squeeze %dma_wait3A_106 : memref<1x1x128xi32, #tpu.memory_space<vmem>> -> memref<128xi32, #tpu.memory_space<vmem>>
    %dma_wait3A_108 = arith.constant 0 : i32
    %dma_wait3A_109 = arith.constant 0 : i32
    %dma_wait3A_110 = tpu.memref_slice %arg10[%dma_wait3A_108, %dma_wait3A_109] : memref<10240x16xf32, #tpu.memory_space<vmem_shared>> -> memref<10240x16xf32, #tpu.memory_space<vmem_shared>>
    tpu.wait_indirect_dma semaphore(%arg31 : memref<!tpu.dma_semaphore, #tpu.memory_space<semaphore_mem>>) src(%dma_wait3A_104 : memref<128x16xf32, #tpu.memory_space<vmem>>) dst(%dma_wait3A_110 : memref<10240x16xf32, #tpu.memory_space<vmem_shared>>)
    %dma_wait3A_111 = arith.constant 7 : i32
    %dma_wait3A_112 = arith.constant 0 : i32
    %dma_wait3A_113 = arith.constant 1 : i32
    %dma_wait3A_114 = arith.constant 0 : i32
    %dma_wait3A_115 = arith.constant 0 : i32
    %dma_wait3A_116 = tpu.memref_slice %arg8[%dma_wait3A_111, %dma_wait3A_114, %dma_wait3A_115] : memref<13x128x16xf32, #tpu.memory_space<vmem>> -> memref<1x128x16xf32, #tpu.memory_space<vmem>>
    %dma_wait3A_117 = tpu.memref_squeeze %dma_wait3A_116 : memref<1x128x16xf32, #tpu.memory_space<vmem>> -> memref<128x16xf32, #tpu.memory_space<vmem>>
    %dma_wait3A_118 = arith.constant 0 : i32
    %dma_wait3A_119 = tpu.memref_slice %arg6[%dma_wait3A_112, %dma_wait3A_113, %dma_wait3A_118] : memref<78x2x128xi32, #tpu.memory_space<vmem>> -> memref<1x1x128xi32, #tpu.memory_space<vmem>>
    %dma_wait3A_120 = tpu.memref_squeeze %dma_wait3A_119 : memref<1x1x128xi32, #tpu.memory_space<vmem>> -> memref<128xi32, #tpu.memory_space<vmem>>
    %dma_wait3A_121 = arith.constant 0 : i32
    %dma_wait3A_122 = arith.constant 0 : i32
    %dma_wait3A_123 = tpu.memref_slice %arg10[%dma_wait3A_121, %dma_wait3A_122] : memref<10240x16xf32, #tpu.memory_space<vmem_shared>> -> memref<10240x16xf32, #tpu.memory_space<vmem_shared>>
    tpu.wait_indirect_dma semaphore(%arg32 : memref<!tpu.dma_semaphore, #tpu.memory_space<semaphore_mem>>) src(%dma_wait3A_117 : memref<128x16xf32, #tpu.memory_space<vmem>>) dst(%dma_wait3A_123 : memref<10240x16xf32, #tpu.memory_space<vmem_shared>>)
    %dma_wait3A_124 = arith.constant 8 : i32
    %dma_wait3A_125 = arith.constant 0 : i32
    %dma_wait3A_126 = arith.constant 1 : i32
    %dma_wait3A_127 = arith.constant 0 : i32
    %dma_wait3A_128 = arith.constant 0 : i32
    %dma_wait3A_129 = tpu.memref_slice %arg8[%dma_wait3A_124, %dma_wait3A_127, %dma_wait3A_128] : memref<13x128x16xf32, #tpu.memory_space<vmem>> -> memref<1x128x16xf32, #tpu.memory_space<vmem>>
    %dma_wait3A_130 = tpu.memref_squeeze %dma_wait3A_129 : memref<1x128x16xf32, #tpu.memory_space<vmem>> -> memref<128x16xf32, #tpu.memory_space<vmem>>
    %dma_wait3A_131 = arith.constant 0 : i32
    %dma_wait3A_132 = tpu.memref_slice %arg6[%dma_wait3A_125, %dma_wait3A_126, %dma_wait3A_131] : memref<78x2x128xi32, #tpu.memory_space<vmem>> -> memref<1x1x128xi32, #tpu.memory_space<vmem>>
    %dma_wait3A_133 = tpu.memref_squeeze %dma_wait3A_132 : memref<1x1x128xi32, #tpu.memory_space<vmem>> -> memref<128xi32, #tpu.memory_space<vmem>>
    %dma_wait3A_134 = arith.constant 0 : i32
    %dma_wait3A_135 = arith.constant 0 : i32
    %dma_wait3A_136 = tpu.memref_slice %arg10[%dma_wait3A_134, %dma_wait3A_135] : memref<10240x16xf32, #tpu.memory_space<vmem_shared>> -> memref<10240x16xf32, #tpu.memory_space<vmem_shared>>
    tpu.wait_indirect_dma semaphore(%arg33 : memref<!tpu.dma_semaphore, #tpu.memory_space<semaphore_mem>>) src(%dma_wait3A_130 : memref<128x16xf32, #tpu.memory_space<vmem>>) dst(%dma_wait3A_136 : memref<10240x16xf32, #tpu.memory_space<vmem_shared>>)
    %dma_wait3A_137 = arith.constant 9 : i32
    %dma_wait3A_138 = arith.constant 0 : i32
    %dma_wait3A_139 = arith.constant 1 : i32
    %dma_wait3A_140 = arith.constant 0 : i32
    %dma_wait3A_141 = arith.constant 0 : i32
    %dma_wait3A_142 = tpu.memref_slice %arg8[%dma_wait3A_137, %dma_wait3A_140, %dma_wait3A_141] : memref<13x128x16xf32, #tpu.memory_space<vmem>> -> memref<1x128x16xf32, #tpu.memory_space<vmem>>
    %dma_wait3A_143 = tpu.memref_squeeze %dma_wait3A_142 : memref<1x128x16xf32, #tpu.memory_space<vmem>> -> memref<128x16xf32, #tpu.memory_space<vmem>>
    %dma_wait3A_144 = arith.constant 0 : i32
    %dma_wait3A_145 = tpu.memref_slice %arg6[%dma_wait3A_138, %dma_wait3A_139, %dma_wait3A_144] : memref<78x2x128xi32, #tpu.memory_space<vmem>> -> memref<1x1x128xi32, #tpu.memory_space<vmem>>
    %dma_wait3A_146 = tpu.memref_squeeze %dma_wait3A_145 : memref<1x1x128xi32, #tpu.memory_space<vmem>> -> memref<128xi32, #tpu.memory_space<vmem>>
    %dma_wait3A_147 = arith.constant 0 : i32
    %dma_wait3A_148 = arith.constant 0 : i32
    %dma_wait3A_149 = tpu.memref_slice %arg10[%dma_wait3A_147, %dma_wait3A_148] : memref<10240x16xf32, #tpu.memory_space<vmem_shared>> -> memref<10240x16xf32, #tpu.memory_space<vmem_shared>>
    tpu.wait_indirect_dma semaphore(%arg34 : memref<!tpu.dma_semaphore, #tpu.memory_space<semaphore_mem>>) src(%dma_wait3A_143 : memref<128x16xf32, #tpu.memory_space<vmem>>) dst(%dma_wait3A_149 : memref<10240x16xf32, #tpu.memory_space<vmem_shared>>)
    %dma_wait3A_150 = arith.constant 10 : i32
    %dma_wait3A_151 = arith.constant 0 : i32
    %dma_wait3A_152 = arith.constant 1 : i32
    %dma_wait3A_153 = arith.constant 0 : i32
    %dma_wait3A_154 = arith.constant 0 : i32
    %dma_wait3A_155 = tpu.memref_slice %arg8[%dma_wait3A_150, %dma_wait3A_153, %dma_wait3A_154] : memref<13x128x16xf32, #tpu.memory_space<vmem>> -> memref<1x128x16xf32, #tpu.memory_space<vmem>>
    %dma_wait3A_156 = tpu.memref_squeeze %dma_wait3A_155 : memref<1x128x16xf32, #tpu.memory_space<vmem>> -> memref<128x16xf32, #tpu.memory_space<vmem>>
    %dma_wait3A_157 = arith.constant 0 : i32
    %dma_wait3A_158 = tpu.memref_slice %arg6[%dma_wait3A_151, %dma_wait3A_152, %dma_wait3A_157] : memref<78x2x128xi32, #tpu.memory_space<vmem>> -> memref<1x1x128xi32, #tpu.memory_space<vmem>>
    %dma_wait3A_159 = tpu.memref_squeeze %dma_wait3A_158 : memref<1x1x128xi32, #tpu.memory_space<vmem>> -> memref<128xi32, #tpu.memory_space<vmem>>
    %dma_wait3A_160 = arith.constant 0 : i32
    %dma_wait3A_161 = arith.constant 0 : i32
    %dma_wait3A_162 = tpu.memref_slice %arg10[%dma_wait3A_160, %dma_wait3A_161] : memref<10240x16xf32, #tpu.memory_space<vmem_shared>> -> memref<10240x16xf32, #tpu.memory_space<vmem_shared>>
    tpu.wait_indirect_dma semaphore(%arg35 : memref<!tpu.dma_semaphore, #tpu.memory_space<semaphore_mem>>) src(%dma_wait3A_156 : memref<128x16xf32, #tpu.memory_space<vmem>>) dst(%dma_wait3A_162 : memref<10240x16xf32, #tpu.memory_space<vmem_shared>>)
    %dma_wait3A_163 = arith.constant 11 : i32
    %dma_wait3A_164 = arith.constant 0 : i32
    %dma_wait3A_165 = arith.constant 1 : i32
    %dma_wait3A_166 = arith.constant 0 : i32
    %dma_wait3A_167 = arith.constant 0 : i32
    %dma_wait3A_168 = tpu.memref_slice %arg8[%dma_wait3A_163, %dma_wait3A_166, %dma_wait3A_167] : memref<13x128x16xf32, #tpu.memory_space<vmem>> -> memref<1x128x16xf32, #tpu.memory_space<vmem>>
    %dma_wait3A_169 = tpu.memref_squeeze %dma_wait3A_168 : memref<1x128x16xf32, #tpu.memory_space<vmem>> -> memref<128x16xf32, #tpu.memory_space<vmem>>
    %dma_wait3A_170 = arith.constant 0 : i32
    %dma_wait3A_171 = tpu.memref_slice %arg6[%dma_wait3A_164, %dma_wait3A_165, %dma_wait3A_170] : memref<78x2x128xi32, #tpu.memory_space<vmem>> -> memref<1x1x128xi32, #tpu.memory_space<vmem>>
    %dma_wait3A_172 = tpu.memref_squeeze %dma_wait3A_171 : memref<1x1x128xi32, #tpu.memory_space<vmem>> -> memref<128xi32, #tpu.memory_space<vmem>>
    %dma_wait3A_173 = arith.constant 0 : i32
    %dma_wait3A_174 = arith.constant 0 : i32
    %dma_wait3A_175 = tpu.memref_slice %arg10[%dma_wait3A_173, %dma_wait3A_174] : memref<10240x16xf32, #tpu.memory_space<vmem_shared>> -> memref<10240x16xf32, #tpu.memory_space<vmem_shared>>
    tpu.wait_indirect_dma semaphore(%arg36 : memref<!tpu.dma_semaphore, #tpu.memory_space<semaphore_mem>>) src(%dma_wait3A_169 : memref<128x16xf32, #tpu.memory_space<vmem>>) dst(%dma_wait3A_175 : memref<10240x16xf32, #tpu.memory_space<vmem_shared>>)
    %dma_wait3A_176 = arith.constant 12 : i32
    %dma_wait3A_177 = arith.constant 0 : i32
    %dma_wait3A_178 = arith.constant 1 : i32
    %dma_wait3A_179 = arith.constant 0 : i32
    %dma_wait3A_180 = arith.constant 0 : i32
    %dma_wait3A_181 = tpu.memref_slice %arg8[%dma_wait3A_176, %dma_wait3A_179, %dma_wait3A_180] : memref<13x128x16xf32, #tpu.memory_space<vmem>> -> memref<1x128x16xf32, #tpu.memory_space<vmem>>
    %dma_wait3A_182 = tpu.memref_squeeze %dma_wait3A_181 : memref<1x128x16xf32, #tpu.memory_space<vmem>> -> memref<128x16xf32, #tpu.memory_space<vmem>>
    %dma_wait3A_183 = arith.constant 0 : i32
    %dma_wait3A_184 = tpu.memref_slice %arg6[%dma_wait3A_177, %dma_wait3A_178, %dma_wait3A_183] : memref<78x2x128xi32, #tpu.memory_space<vmem>> -> memref<1x1x128xi32, #tpu.memory_space<vmem>>
    %dma_wait3A_185 = tpu.memref_squeeze %dma_wait3A_184 : memref<1x1x128xi32, #tpu.memory_space<vmem>> -> memref<128xi32, #tpu.memory_space<vmem>>
    %dma_wait3A_186 = arith.constant 0 : i32
    %dma_wait3A_187 = arith.constant 0 : i32
    %dma_wait3A_188 = tpu.memref_slice %arg10[%dma_wait3A_186, %dma_wait3A_187] : memref<10240x16xf32, #tpu.memory_space<vmem_shared>> -> memref<10240x16xf32, #tpu.memory_space<vmem_shared>>
    tpu.wait_indirect_dma semaphore(%arg37 : memref<!tpu.dma_semaphore, #tpu.memory_space<semaphore_mem>>) src(%dma_wait3A_182 : memref<128x16xf32, #tpu.memory_space<vmem>>) dst(%dma_wait3A_188 : memref<10240x16xf32, #tpu.memory_space<vmem_shared>>)
    %lt3A_189 = arith.constant 4 : i32
    %lt3A_190 = arith.cmpi slt, %add3A, %lt3A_189 : i32
    %convert_element_type3A_191 = arith.extui %lt3A_190 : i1 to i32
    %cond3A_192 = arith.constant 0 : i32
    %cond3A_193 = arith.cmpi ne, %convert_element_type3A_191, %cond3A_192 : i32
    scf.if %cond3A_193 {
      %dma_start3A_204 = arith.constant 0 : i32
      %dma_start3A_205 = arith.constant 0 : i32
      %dma_start3A_206 = arith.constant 0 : i32
      %dma_start3A_207 = arith.constant 0 : i32
      %dma_start3A_208 = arith.constant 0 : i32
      %dma_start3A_209 = tpu.memref_slice %arg8[%dma_start3A_206, %dma_start3A_207, %dma_start3A_208] : memref<13x128x16xf32, #tpu.memory_space<vmem>> -> memref<1x128x16xf32, #tpu.memory_space<vmem>>
      %dma_start3A_210 = tpu.memref_squeeze %dma_start3A_209 : memref<1x128x16xf32, #tpu.memory_space<vmem>> -> memref<128x16xf32, #tpu.memory_space<vmem>>
      %dma_start3A_211 = arith.constant 0 : i32
      %dma_start3A_212 = tpu.memref_slice %arg7[%dma_start3A_204, %dma_start3A_205, %dma_start3A_211] : memref<1x2x128xi32, #tpu.memory_space<vmem>> -> memref<1x1x128xi32, #tpu.memory_space<vmem>>
      %dma_start3A_213 = tpu.memref_squeeze %dma_start3A_212 : memref<1x1x128xi32, #tpu.memory_space<vmem>> -> memref<128xi32, #tpu.memory_space<vmem>>
      %dma_start3A_214 = arith.constant 0 : i32
      %dma_start3A_215 = arith.constant 0 : i32
      %dma_start3A_216 = tpu.memref_slice %arg11[%dma_start3A_214, %dma_start3A_215] : memref<10240x16xf32, #tpu.memory_space<vmem_shared>> -> memref<10240x16xf32, #tpu.memory_space<vmem_shared>>
      tpu.enqueue_indirect_dma source(%dma_start3A_216 : memref<10240x16xf32, #tpu.memory_space<vmem_shared>>) target(%dma_start3A_210 : memref<128x16xf32, #tpu.memory_space<vmem>>) offsets(%dma_start3A_213 : memref<128xi32, #tpu.memory_space<vmem>>) semaphore(%arg12 : memref<!tpu.dma_semaphore, #tpu.memory_space<semaphore_mem>>)
      %dma_wait3A_217 = arith.constant 0 : i32
      %dma_wait3A_218 = arith.constant 0 : i32
      %dma_wait3A_219 = arith.constant 0 : i32
      %dma_wait3A_220 = arith.constant 0 : i32
      %dma_wait3A_221 = arith.constant 0 : i32
      %dma_wait3A_222 = tpu.memref_slice %arg8[%dma_wait3A_219, %dma_wait3A_220, %dma_wait3A_221] : memref<13x128x16xf32, #tpu.memory_space<vmem>> -> memref<1x128x16xf32, #tpu.memory_space<vmem>>
      %dma_wait3A_223 = tpu.memref_squeeze %dma_wait3A_222 : memref<1x128x16xf32, #tpu.memory_space<vmem>> -> memref<128x16xf32, #tpu.memory_space<vmem>>
      %dma_wait3A_224 = arith.constant 0 : i32
      %dma_wait3A_225 = tpu.memref_slice %arg7[%dma_wait3A_217, %dma_wait3A_218, %dma_wait3A_224] : memref<1x2x128xi32, #tpu.memory_space<vmem>> -> memref<1x1x128xi32, #tpu.memory_space<vmem>>
      %dma_wait3A_226 = tpu.memref_squeeze %dma_wait3A_225 : memref<1x1x128xi32, #tpu.memory_space<vmem>> -> memref<128xi32, #tpu.memory_space<vmem>>
      %dma_wait3A_227 = arith.constant 0 : i32
      %dma_wait3A_228 = arith.constant 0 : i32
      %dma_wait3A_229 = tpu.memref_slice %arg11[%dma_wait3A_227, %dma_wait3A_228] : memref<10240x16xf32, #tpu.memory_space<vmem_shared>> -> memref<10240x16xf32, #tpu.memory_space<vmem_shared>>
      tpu.wait_indirect_dma semaphore(%arg12 : memref<!tpu.dma_semaphore, #tpu.memory_space<semaphore_mem>>) src(%dma_wait3A_229 : memref<10240x16xf32, #tpu.memory_space<vmem_shared>>) dst(%dma_wait3A_223 : memref<128x16xf32, #tpu.memory_space<vmem>>)
      %run_scoped3A = arith.constant 0 : i32
      %run_scoped3A_230 = arith.constant 0 : i32
      %run_scoped3A_231 = arith.constant 1 : i32
      "tpu.region"() ({
        %run_scoped3A_232 = tpu.sem_alloc : memref<!tpu.dma_semaphore, #tpu.memory_space<semaphore_mem>>
        %dma_start3A_233 = arith.constant 0 : i32
        %dma_start3A_234 = arith.constant 0 : i32
        %dma_start3A_235 = tpu.memref_slice %arg8[%run_scoped3A, %dma_start3A_233, %dma_start3A_234] : memref<13x128x16xf32, #tpu.memory_space<vmem>> -> memref<1x128x16xf32, #tpu.memory_space<vmem>>
        %dma_start3A_236 = tpu.memref_squeeze %dma_start3A_235 : memref<1x128x16xf32, #tpu.memory_space<vmem>> -> memref<128x16xf32, #tpu.memory_space<vmem>>
        %dma_start3A_237 = arith.constant 0 : i32
        %dma_start3A_238 = tpu.memref_slice %arg7[%run_scoped3A_230, %run_scoped3A_231, %dma_start3A_237] : memref<1x2x128xi32, #tpu.memory_space<vmem>> -> memref<1x1x128xi32, #tpu.memory_space<vmem>>
        %dma_start3A_239 = tpu.memref_squeeze %dma_start3A_238 : memref<1x1x128xi32, #tpu.memory_space<vmem>> -> memref<128xi32, #tpu.memory_space<vmem>>
        %dma_start3A_240 = arith.constant 0 : i32
        %dma_start3A_241 = arith.constant 0 : i32
        %dma_start3A_242 = tpu.memref_slice %arg10[%dma_start3A_240, %dma_start3A_241] : memref<10240x16xf32, #tpu.memory_space<vmem_shared>> -> memref<10240x16xf32, #tpu.memory_space<vmem_shared>>
        tpu.enqueue_indirect_dma source(%dma_start3A_236 : memref<128x16xf32, #tpu.memory_space<vmem>>) target(%dma_start3A_242 : memref<10240x16xf32, #tpu.memory_space<vmem_shared>>) offsets(%dma_start3A_239 : memref<128xi32, #tpu.memory_space<vmem>>) semaphore(%run_scoped3A_232 : memref<!tpu.dma_semaphore, #tpu.memory_space<semaphore_mem>>) {add = true}
        %dma_wait3A_243 = arith.constant 0 : i32
        %dma_wait3A_244 = arith.constant 0 : i32
        %dma_wait3A_245 = tpu.memref_slice %arg8[%run_scoped3A, %dma_wait3A_243, %dma_wait3A_244] : memref<13x128x16xf32, #tpu.memory_space<vmem>> -> memref<1x128x16xf32, #tpu.memory_space<vmem>>
        %dma_wait3A_246 = tpu.memref_squeeze %dma_wait3A_245 : memref<1x128x16xf32, #tpu.memory_space<vmem>> -> memref<128x16xf32, #tpu.memory_space<vmem>>
        %dma_wait3A_247 = arith.constant 0 : i32
        %dma_wait3A_248 = tpu.memref_slice %arg7[%run_scoped3A_230, %run_scoped3A_231, %dma_wait3A_247] : memref<1x2x128xi32, #tpu.memory_space<vmem>> -> memref<1x1x128xi32, #tpu.memory_space<vmem>>
        %dma_wait3A_249 = tpu.memref_squeeze %dma_wait3A_248 : memref<1x1x128xi32, #tpu.memory_space<vmem>> -> memref<128xi32, #tpu.memory_space<vmem>>
        %dma_wait3A_250 = arith.constant 0 : i32
        %dma_wait3A_251 = arith.constant 0 : i32
        %dma_wait3A_252 = tpu.memref_slice %arg10[%dma_wait3A_250, %dma_wait3A_251] : memref<10240x16xf32, #tpu.memory_space<vmem_shared>> -> memref<10240x16xf32, #tpu.memory_space<vmem_shared>>
        tpu.wait_indirect_dma semaphore(%run_scoped3A_232 : memref<!tpu.dma_semaphore, #tpu.memory_space<semaphore_mem>>) src(%dma_wait3A_246 : memref<128x16xf32, #tpu.memory_space<vmem>>) dst(%dma_wait3A_252 : memref<10240x16xf32, #tpu.memory_space<vmem_shared>>)
        tpu.yield
      }) : () -> ()
    } else {
    }
    %barrier3A_194 = arith.constant 0 : index
    tpu.barrier barrier_id(%barrier3A_194)
    %eq3A = arith.constant 0 : i32
    %eq3A_195 = arith.cmpi eq, %arg0, %eq3A : i32
    %convert_element_type3A_196 = arith.extui %eq3A_195 : i1 to i32
    %cond3A_197 = arith.constant 0 : i32
    %cond3A_198 = arith.cmpi ne, %convert_element_type3A_196, %cond3A_197 : i32
    scf.if %cond3A_198 {
      %mul3A_204 = arith.constant 640 : i32
      %mul3A_205 = arith.muli %arg1, %mul3A_204 : i32
      %mul3A_206 = arith.constant 640 : i32
      %mul3A_207 = arith.muli %arg1, %mul3A_206 : i32
      "tpu.region"() ({
        %run_scoped3A = tpu.sem_alloc : memref<!tpu.dma_semaphore, #tpu.memory_space<semaphore_mem>>
        %dma_start3A_208 = arith.constant 0 : i32
        %dma_start3A_209 = tpu.memref_slice %arg4[%mul3A_207, %dma_start3A_208] : memref<10240x16xf32, #tpu.memory_space<hbm>> -> memref<640x16xf32, #tpu.memory_space<hbm>>
        %dma_start3A_210 = arith.constant 0 : i32
        %dma_start3A_211 = tpu.memref_slice %arg10[%mul3A_205, %dma_start3A_210] : memref<10240x16xf32, #tpu.memory_space<vmem_shared>> -> memref<640x16xf32, #tpu.memory_space<vmem_shared>>
        tpu.enqueue_dma source(%dma_start3A_211 : memref<640x16xf32, #tpu.memory_space<vmem_shared>>) target(%dma_start3A_209 : memref<640x16xf32, #tpu.memory_space<hbm>>) target_semaphore(%run_scoped3A : memref<!tpu.dma_semaphore, #tpu.memory_space<semaphore_mem>>)
        %dma_wait3A_212 = arith.constant 0 : i32
        %dma_wait3A_213 = tpu.memref_slice %arg4[%mul3A_207, %dma_wait3A_212] : memref<10240x16xf32, #tpu.memory_space<hbm>> -> memref<640x16xf32, #tpu.memory_space<hbm>>
        %dma_wait3A_214 = arith.constant 0 : i32
        %dma_wait3A_215 = tpu.memref_slice %arg10[%mul3A_205, %dma_wait3A_214] : memref<10240x16xf32, #tpu.memory_space<vmem_shared>> -> memref<640x16xf32, #tpu.memory_space<vmem_shared>>
        tpu.wait_dma2 semaphore(%run_scoped3A : memref<!tpu.dma_semaphore, #tpu.memory_space<semaphore_mem>>) src(%dma_wait3A_215 : memref<640x16xf32, #tpu.memory_space<vmem_shared>>) dst(%dma_wait3A_213 : memref<640x16xf32, #tpu.memory_space<hbm>>)
        tpu.yield
      }) : () -> ()
    } else {
    }
    %eq3A_199 = arith.constant 1 : i32
    %eq3A_200 = arith.cmpi eq, %arg0, %eq3A_199 : i32
    %convert_element_type3A_201 = arith.extui %eq3A_200 : i1 to i32
    %cond3A_202 = arith.constant 0 : i32
    %cond3A_203 = arith.cmpi ne, %convert_element_type3A_201, %cond3A_202 : i32
    scf.if %cond3A_203 {
      %mul3A_204 = arith.constant 640 : i32
      %mul3A_205 = arith.muli %arg1, %mul3A_204 : i32
      %mul3A_206 = arith.constant 640 : i32
      %mul3A_207 = arith.muli %arg1, %mul3A_206 : i32
      "tpu.region"() ({
        %run_scoped3A = tpu.sem_alloc : memref<!tpu.dma_semaphore, #tpu.memory_space<semaphore_mem>>
        %dma_start3A_208 = arith.constant 0 : i32
        %dma_start3A_209 = tpu.memref_slice %arg5[%mul3A_207, %dma_start3A_208] : memref<10240x16xf32, #tpu.memory_space<hbm>> -> memref<640x16xf32, #tpu.memory_space<hbm>>
        %dma_start3A_210 = arith.constant 0 : i32
        %dma_start3A_211 = tpu.memref_slice %arg10[%mul3A_205, %dma_start3A_210] : memref<10240x16xf32, #tpu.memory_space<vmem_shared>> -> memref<640x16xf32, #tpu.memory_space<vmem_shared>>
        tpu.enqueue_dma source(%dma_start3A_211 : memref<640x16xf32, #tpu.memory_space<vmem_shared>>) target(%dma_start3A_209 : memref<640x16xf32, #tpu.memory_space<hbm>>) target_semaphore(%run_scoped3A : memref<!tpu.dma_semaphore, #tpu.memory_space<semaphore_mem>>)
        %dma_wait3A_212 = arith.constant 0 : i32
        %dma_wait3A_213 = tpu.memref_slice %arg5[%mul3A_207, %dma_wait3A_212] : memref<10240x16xf32, #tpu.memory_space<hbm>> -> memref<640x16xf32, #tpu.memory_space<hbm>>
        %dma_wait3A_214 = arith.constant 0 : i32
        %dma_wait3A_215 = tpu.memref_slice %arg10[%mul3A_205, %dma_wait3A_214] : memref<10240x16xf32, #tpu.memory_space<vmem_shared>> -> memref<640x16xf32, #tpu.memory_space<vmem_shared>>
        tpu.wait_dma2 semaphore(%run_scoped3A : memref<!tpu.dma_semaphore, #tpu.memory_space<semaphore_mem>>) src(%dma_wait3A_215 : memref<640x16xf32, #tpu.memory_space<vmem_shared>>) dst(%dma_wait3A_213 : memref<640x16xf32, #tpu.memory_space<hbm>>)
        tpu.yield
      }) : () -> ()
    } else {
    }
    return
  }
}

module attributes {stable_mosaic.version = 14 : i64} {
  func.func @_mm1_body(%arg0: i32, %arg1: memref<320x8x128xf32, #tpu.memory_space<vmem>>, %arg2: memref<8x128x128xf32, #tpu.memory_space<vmem>>, %arg3: memref<320x128xf32, #tpu.memory_space<vmem>>) attributes {dimension_semantics = [#tpu.dimension_semantics<arbitrary>], iteration_bounds = array<i64: 4>, scalar_prefetch = 0 : i64, scratch_operands = 0 : i64, tpu.core_type = #tpu.core_type<tc>, window_params = [{transform_indices = @transform_0, window_bounds = array<i64: 320, 8, 128>}, {pipeline_mode = #tpu.pipeline_mode<synchronous>, transform_indices = @transform_1, window_bounds = array<i64: 8, 128, 128>}, {transform_indices = @transform_2, window_bounds = array<i64: 320, 128>}]} {
    %get3A = arith.constant 0 : index
    %get3A_0 = arith.constant 0 : index
    %get3A_1 = arith.constant 0 : index
    %get3A_2 = vector.load %arg1[%get3A, %get3A_0, %get3A_1] : memref<320x8x128xf32, #tpu.memory_space<vmem>>, vector<320x1x128xf32>
    %get3A_3 = vector.shape_cast %get3A_2 : vector<320x1x128xf32> to vector<320x128xf32>
    %get3A_4 = arith.constant 0 : index
    %get3A_5 = arith.constant 0 : index
    %get3A_6 = arith.constant 0 : index
    %get3A_7 = vector.load %arg2[%get3A_4, %get3A_5, %get3A_6] : memref<8x128x128xf32, #tpu.memory_space<vmem>>, vector<1x128x128xf32>
    %get3A_8 = vector.shape_cast %get3A_7 : vector<1x128x128xf32> to vector<128x128xf32>
    %dot_general3A = arith.constant dense<0.000000e+00> : vector<320x128xf32>
    %dot_general3A_9 = tpu.matmul %get3A_3, %get3A_8, %dot_general3A {dimension_numbers = #tpu.dot_dimension_numbers<[1], [0], [0], [1], [0, 0, 1, 1], [], []>, transpose_lhs_hint = false} : vector<320x128xf32>, vector<128x128xf32>, vector<320x128xf32> -> vector<320x128xf32>
    %get3A_10 = arith.constant 0 : index
    %get3A_11 = arith.constant 1 : index
    %get3A_12 = arith.constant 0 : index
    %get3A_13 = vector.load %arg1[%get3A_10, %get3A_11, %get3A_12] : memref<320x8x128xf32, #tpu.memory_space<vmem>>, vector<320x1x128xf32>
    %get3A_14 = vector.shape_cast %get3A_13 : vector<320x1x128xf32> to vector<320x128xf32>
    %get3A_15 = arith.constant 1 : index
    %get3A_16 = arith.constant 0 : index
    %get3A_17 = arith.constant 0 : index
    %get3A_18 = vector.load %arg2[%get3A_15, %get3A_16, %get3A_17] : memref<8x128x128xf32, #tpu.memory_space<vmem>>, vector<1x128x128xf32>
    %get3A_19 = vector.shape_cast %get3A_18 : vector<1x128x128xf32> to vector<128x128xf32>
    %dot_general3A_20 = arith.constant dense<0.000000e+00> : vector<320x128xf32>
    %dot_general3A_21 = tpu.matmul %get3A_14, %get3A_19, %dot_general3A_20 {dimension_numbers = #tpu.dot_dimension_numbers<[1], [0], [0], [1], [0, 0, 1, 1], [], []>, transpose_lhs_hint = false} : vector<320x128xf32>, vector<128x128xf32>, vector<320x128xf32> -> vector<320x128xf32>
    %add3A = arith.addf %dot_general3A_9, %dot_general3A_21 : vector<320x128xf32>
    %get3A_22 = arith.constant 0 : index
    %get3A_23 = arith.constant 2 : index
    %get3A_24 = arith.constant 0 : index
    %get3A_25 = vector.load %arg1[%get3A_22, %get3A_23, %get3A_24] : memref<320x8x128xf32, #tpu.memory_space<vmem>>, vector<320x1x128xf32>
    %get3A_26 = vector.shape_cast %get3A_25 : vector<320x1x128xf32> to vector<320x128xf32>
    %get3A_27 = arith.constant 2 : index
    %get3A_28 = arith.constant 0 : index
    %get3A_29 = arith.constant 0 : index
    %get3A_30 = vector.load %arg2[%get3A_27, %get3A_28, %get3A_29] : memref<8x128x128xf32, #tpu.memory_space<vmem>>, vector<1x128x128xf32>
    %get3A_31 = vector.shape_cast %get3A_30 : vector<1x128x128xf32> to vector<128x128xf32>
    %dot_general3A_32 = arith.constant dense<0.000000e+00> : vector<320x128xf32>
    %dot_general3A_33 = tpu.matmul %get3A_26, %get3A_31, %dot_general3A_32 {dimension_numbers = #tpu.dot_dimension_numbers<[1], [0], [0], [1], [0, 0, 1, 1], [], []>, transpose_lhs_hint = false} : vector<320x128xf32>, vector<128x128xf32>, vector<320x128xf32> -> vector<320x128xf32>
    %add3A_34 = arith.addf %add3A, %dot_general3A_33 : vector<320x128xf32>
    %get3A_35 = arith.constant 0 : index
    %get3A_36 = arith.constant 3 : index
    %get3A_37 = arith.constant 0 : index
    %get3A_38 = vector.load %arg1[%get3A_35, %get3A_36, %get3A_37] : memref<320x8x128xf32, #tpu.memory_space<vmem>>, vector<320x1x128xf32>
    %get3A_39 = vector.shape_cast %get3A_38 : vector<320x1x128xf32> to vector<320x128xf32>
    %get3A_40 = arith.constant 3 : index
    %get3A_41 = arith.constant 0 : index
    %get3A_42 = arith.constant 0 : index
    %get3A_43 = vector.load %arg2[%get3A_40, %get3A_41, %get3A_42] : memref<8x128x128xf32, #tpu.memory_space<vmem>>, vector<1x128x128xf32>
    %get3A_44 = vector.shape_cast %get3A_43 : vector<1x128x128xf32> to vector<128x128xf32>
    %dot_general3A_45 = arith.constant dense<0.000000e+00> : vector<320x128xf32>
    %dot_general3A_46 = tpu.matmul %get3A_39, %get3A_44, %dot_general3A_45 {dimension_numbers = #tpu.dot_dimension_numbers<[1], [0], [0], [1], [0, 0, 1, 1], [], []>, transpose_lhs_hint = false} : vector<320x128xf32>, vector<128x128xf32>, vector<320x128xf32> -> vector<320x128xf32>
    %add3A_47 = arith.addf %add3A_34, %dot_general3A_46 : vector<320x128xf32>
    %get3A_48 = arith.constant 0 : index
    %get3A_49 = arith.constant 4 : index
    %get3A_50 = arith.constant 0 : index
    %get3A_51 = vector.load %arg1[%get3A_48, %get3A_49, %get3A_50] : memref<320x8x128xf32, #tpu.memory_space<vmem>>, vector<320x1x128xf32>
    %get3A_52 = vector.shape_cast %get3A_51 : vector<320x1x128xf32> to vector<320x128xf32>
    %get3A_53 = arith.constant 4 : index
    %get3A_54 = arith.constant 0 : index
    %get3A_55 = arith.constant 0 : index
    %get3A_56 = vector.load %arg2[%get3A_53, %get3A_54, %get3A_55] : memref<8x128x128xf32, #tpu.memory_space<vmem>>, vector<1x128x128xf32>
    %get3A_57 = vector.shape_cast %get3A_56 : vector<1x128x128xf32> to vector<128x128xf32>
    %dot_general3A_58 = arith.constant dense<0.000000e+00> : vector<320x128xf32>
    %dot_general3A_59 = tpu.matmul %get3A_52, %get3A_57, %dot_general3A_58 {dimension_numbers = #tpu.dot_dimension_numbers<[1], [0], [0], [1], [0, 0, 1, 1], [], []>, transpose_lhs_hint = false} : vector<320x128xf32>, vector<128x128xf32>, vector<320x128xf32> -> vector<320x128xf32>
    %add3A_60 = arith.addf %add3A_47, %dot_general3A_59 : vector<320x128xf32>
    %get3A_61 = arith.constant 0 : index
    %get3A_62 = arith.constant 5 : index
    %get3A_63 = arith.constant 0 : index
    %get3A_64 = vector.load %arg1[%get3A_61, %get3A_62, %get3A_63] : memref<320x8x128xf32, #tpu.memory_space<vmem>>, vector<320x1x128xf32>
    %get3A_65 = vector.shape_cast %get3A_64 : vector<320x1x128xf32> to vector<320x128xf32>
    %get3A_66 = arith.constant 5 : index
    %get3A_67 = arith.constant 0 : index
    %get3A_68 = arith.constant 0 : index
    %get3A_69 = vector.load %arg2[%get3A_66, %get3A_67, %get3A_68] : memref<8x128x128xf32, #tpu.memory_space<vmem>>, vector<1x128x128xf32>
    %get3A_70 = vector.shape_cast %get3A_69 : vector<1x128x128xf32> to vector<128x128xf32>
    %dot_general3A_71 = arith.constant dense<0.000000e+00> : vector<320x128xf32>
    %dot_general3A_72 = tpu.matmul %get3A_65, %get3A_70, %dot_general3A_71 {dimension_numbers = #tpu.dot_dimension_numbers<[1], [0], [0], [1], [0, 0, 1, 1], [], []>, transpose_lhs_hint = false} : vector<320x128xf32>, vector<128x128xf32>, vector<320x128xf32> -> vector<320x128xf32>
    %add3A_73 = arith.addf %add3A_60, %dot_general3A_72 : vector<320x128xf32>
    %get3A_74 = arith.constant 0 : index
    %get3A_75 = arith.constant 6 : index
    %get3A_76 = arith.constant 0 : index
    %get3A_77 = vector.load %arg1[%get3A_74, %get3A_75, %get3A_76] : memref<320x8x128xf32, #tpu.memory_space<vmem>>, vector<320x1x128xf32>
    %get3A_78 = vector.shape_cast %get3A_77 : vector<320x1x128xf32> to vector<320x128xf32>
    %get3A_79 = arith.constant 6 : index
    %get3A_80 = arith.constant 0 : index
    %get3A_81 = arith.constant 0 : index
    %get3A_82 = vector.load %arg2[%get3A_79, %get3A_80, %get3A_81] : memref<8x128x128xf32, #tpu.memory_space<vmem>>, vector<1x128x128xf32>
    %get3A_83 = vector.shape_cast %get3A_82 : vector<1x128x128xf32> to vector<128x128xf32>
    %dot_general3A_84 = arith.constant dense<0.000000e+00> : vector<320x128xf32>
    %dot_general3A_85 = tpu.matmul %get3A_78, %get3A_83, %dot_general3A_84 {dimension_numbers = #tpu.dot_dimension_numbers<[1], [0], [0], [1], [0, 0, 1, 1], [], []>, transpose_lhs_hint = false} : vector<320x128xf32>, vector<128x128xf32>, vector<320x128xf32> -> vector<320x128xf32>
    %add3A_86 = arith.addf %add3A_73, %dot_general3A_85 : vector<320x128xf32>
    %get3A_87 = arith.constant 0 : index
    %get3A_88 = arith.constant 7 : index
    %get3A_89 = arith.constant 0 : index
    %get3A_90 = vector.load %arg1[%get3A_87, %get3A_88, %get3A_89] : memref<320x8x128xf32, #tpu.memory_space<vmem>>, vector<320x1x128xf32>
    %get3A_91 = vector.shape_cast %get3A_90 : vector<320x1x128xf32> to vector<320x128xf32>
    %get3A_92 = arith.constant 7 : index
    %get3A_93 = arith.constant 0 : index
    %get3A_94 = arith.constant 0 : index
    %get3A_95 = vector.load %arg2[%get3A_92, %get3A_93, %get3A_94] : memref<8x128x128xf32, #tpu.memory_space<vmem>>, vector<1x128x128xf32>
    %get3A_96 = vector.shape_cast %get3A_95 : vector<1x128x128xf32> to vector<128x128xf32>
    %dot_general3A_97 = arith.constant dense<0.000000e+00> : vector<320x128xf32>
    %dot_general3A_98 = tpu.matmul %get3A_91, %get3A_96, %dot_general3A_97 {dimension_numbers = #tpu.dot_dimension_numbers<[1], [0], [0], [1], [0, 0, 1, 1], [], []>, transpose_lhs_hint = false} : vector<320x128xf32>, vector<128x128xf32>, vector<320x128xf32> -> vector<320x128xf32>
    %add3A_99 = arith.addf %add3A_86, %dot_general3A_98 : vector<320x128xf32>
    %swap3A = arith.constant 0 : index
    %swap3A_100 = arith.constant 0 : index
    %swap3A_101 = vector.load %arg3[%swap3A, %swap3A_100] : memref<320x128xf32, #tpu.memory_space<vmem>>, vector<320x128xf32>
    tpu.vector_store %arg3[%swap3A, %swap3A_100], %add3A_99 {strides = array<i32>} : memref<320x128xf32, #tpu.memory_space<vmem>>, vector<320x128xf32>,
    return
  }
  func.func @transform_0(%arg0: i32) -> (i32, i32, i32) {
    %c0_i32 = arith.constant 0 : i32
    %c0_i32_0 = arith.constant 0 : i32
    %c0_i32_1 = arith.constant 0 : i32
    return %arg0, %c0_i32, %c0_i32_0 : i32, i32, i32
  }
  func.func @transform_1(%arg0: i32) -> (i32, i32, i32) {
    %c0_i32 = arith.constant 0 : i32
    %c0_i32_0 = arith.constant 0 : i32
    %c0_i32_1 = arith.constant 0 : i32
    %c0_i32_2 = arith.constant 0 : i32
    return %c0_i32, %c0_i32_0, %c0_i32_1 : i32, i32, i32
  }
  func.func @transform_2(%arg0: i32) -> (i32, i32) {
    %c0_i32 = arith.constant 0 : i32
    %c0_i32_0 = arith.constant 0 : i32
    return %arg0, %c0_i32 : i32, i32
  }
}

module attributes {stable_mosaic.version = 14 : i64} {
  func.func @_tail_body(%arg0: i32, %arg1: memref<1x1xf32, #tpu.memory_space<smem>>, %arg2: memref<1280x128xf32, #tpu.memory_space<vmem>>, %arg3: memref<1280x128xf32, #tpu.memory_space<vmem>>, %arg4: memref<1280x128xf32, #tpu.memory_space<vmem>>, %arg5: memref<1x128xf32, #tpu.memory_space<vmem>>, %arg6: memref<128x128xf32, #tpu.memory_space<vmem>>, %arg7: memref<1x128xf32, #tpu.memory_space<vmem>>, %arg8: memref<1250x128xf32, #tpu.memory_space<vmem>>) attributes {dimension_semantics = [#tpu.dimension_semantics<arbitrary>], iteration_bounds = array<i64: 1>, scalar_prefetch = 0 : i64, scratch_operands = 0 : i64, tpu.core_type = #tpu.core_type<tc>, window_params = [{transform_indices = @transform_0, window_bounds = array<i64: 1, 1>}, {pipeline_mode = #tpu.pipeline_mode<synchronous>, transform_indices = @transform_1, window_bounds = array<i64: 1280, 128>}, {pipeline_mode = #tpu.pipeline_mode<synchronous>, transform_indices = @transform_2, window_bounds = array<i64: 1280, 128>}, {pipeline_mode = #tpu.pipeline_mode<synchronous>, transform_indices = @transform_3, window_bounds = array<i64: 1280, 128>}, {pipeline_mode = #tpu.pipeline_mode<synchronous>, transform_indices = @transform_4, window_bounds = array<i64: 1, 128>}, {pipeline_mode = #tpu.pipeline_mode<synchronous>, transform_indices = @transform_5, window_bounds = array<i64: 128, 128>}, {pipeline_mode = #tpu.pipeline_mode<synchronous>, transform_indices = @transform_6, window_bounds = array<i64: 1, 128>}, {pipeline_mode = #tpu.pipeline_mode<synchronous>, transform_indices = @transform_7, window_bounds = array<i64: 1250, 128>}]} {
    %get3A = arith.constant 0 : index
    %get3A_0 = arith.constant 0 : index
    %get3A_1 = memref.load %arg1[%get3A, %get3A_0] : memref<1x1xf32, #tpu.memory_space<smem>>
    %add3A = arith.constant 1.000000e+00 : f32
    %add3A_2 = arith.addf %add3A, %get3A_1 : f32
    %get3A_3 = arith.constant 0 : index
    %get3A_4 = arith.constant 0 : index
    %get3A_5 = vector.load %arg2[%get3A_3, %get3A_4] : memref<1280x128xf32, #tpu.memory_space<vmem>>, vector<1250x128xf32>
    %mul3A = vector.broadcast %add3A_2 : f32 to vector<1250x128xf32>
    %mul3A_6 = arith.mulf %mul3A, %get3A_5 : vector<1250x128xf32>
    %get3A_7 = arith.constant 0 : index
    %get3A_8 = arith.constant 0 : index
    %get3A_9 = vector.load %arg3[%get3A_7, %get3A_8] : memref<1280x128xf32, #tpu.memory_space<vmem>>, vector<1250x128xf32>
    %add3A_10 = arith.addf %mul3A_6, %get3A_9 : vector<1250x128xf32>
    %get3A_11 = arith.constant 0 : index
    %get3A_12 = arith.constant 0 : index
    %get3A_13 = vector.load %arg4[%get3A_11, %get3A_12] : memref<1280x128xf32, #tpu.memory_space<vmem>>, vector<1250x128xf32>
    %add3A_14 = arith.addf %add3A_10, %get3A_13 : vector<1250x128xf32>
    %get3A_15 = arith.constant 0 : index
    %get3A_16 = arith.constant 0 : index
    %get3A_17 = vector.load %arg5[%get3A_15, %get3A_16] : memref<1x128xf32, #tpu.memory_space<vmem>>, vector<1x128xf32>
    %add3A_18 = vector.broadcast %get3A_17 : vector<1x128xf32> to vector<1250x128xf32>
    %add3A_19 = arith.addf %add3A_14, %add3A_18 : vector<1250x128xf32>
    %max3A = arith.constant 0.000000e+00 : f32
    %max3A_20 = vector.broadcast %max3A : f32 to vector<1250x128xf32>
    %max3A_21 = arith.maximumf %add3A_19, %max3A_20 : vector<1250x128xf32>
    %get3A_22 = arith.constant 0 : index
    %get3A_23 = arith.constant 0 : index
    %get3A_24 = vector.load %arg6[%get3A_22, %get3A_23] : memref<128x128xf32, #tpu.memory_space<vmem>>, vector<128x128xf32>
    %dot_general3A = arith.constant dense<0.000000e+00> : vector<1250x128xf32>
    %dot_general3A_25 = tpu.matmul %max3A_21, %get3A_24, %dot_general3A {dimension_numbers = #tpu.dot_dimension_numbers<[1], [0], [0], [1], [0, 0, 1, 1], [], []>, transpose_lhs_hint = false} : vector<1250x128xf32>, vector<128x128xf32>, vector<1250x128xf32> -> vector<1250x128xf32>
    %get3A_26 = arith.constant 0 : index
    %get3A_27 = arith.constant 0 : index
    %get3A_28 = vector.load %arg7[%get3A_26, %get3A_27] : memref<1x128xf32, #tpu.memory_space<vmem>>, vector<1x128xf32>
    %add3A_29 = vector.broadcast %get3A_28 : vector<1x128xf32> to vector<1250x128xf32>
    %add3A_30 = arith.addf %dot_general3A_25, %add3A_29 : vector<1250x128xf32>
    %max3A_31 = arith.constant 0.000000e+00 : f32
    %max3A_32 = vector.broadcast %max3A_31 : f32 to vector<1250x128xf32>
    %max3A_33 = arith.maximumf %add3A_30, %max3A_32 : vector<1250x128xf32>
    %swap3A = arith.constant 0 : index
    %swap3A_34 = arith.constant 0 : index
    %swap3A_35 = vector.load %arg8[%swap3A, %swap3A_34] : memref<1250x128xf32, #tpu.memory_space<vmem>>, vector<1250x128xf32>
    tpu.vector_store %arg8[%swap3A, %swap3A_34], %max3A_33 {strides = array<i32>} : memref<1250x128xf32, #tpu.memory_space<vmem>>, vector<1250x128xf32>,
    return
  }
  func.func @transform_0(%arg0: i32) -> (i32, i32) {
    %c0_i32 = arith.constant 0 : i32
    %c0_i32_0 = arith.constant 0 : i32
    %c0_i32_1 = arith.constant 0 : i32
    return %c0_i32, %c0_i32_0 : i32, i32
  }
  func.func @transform_1(%arg0: i32) -> (i32, i32) {
    %c0_i32 = arith.constant 0 : i32
    %c0_i32_0 = arith.constant 0 : i32
    %c0_i32_1 = arith.constant 0 : i32
    return %c0_i32, %c0_i32_0 : i32, i32
  }
  func.func @transform_2(%arg0: i32) -> (i32, i32) {
    %c0_i32 = arith.constant 0 : i32
    %c0_i32_0 = arith.constant 0 : i32
    %c0_i32_1 = arith.constant 0 : i32
    return %c0_i32, %c0_i32_0 : i32, i32
  }
  func.func @transform_3(%arg0: i32) -> (i32, i32) {
    %c0_i32 = arith.constant 0 : i32
    %c0_i32_0 = arith.constant 0 : i32
    %c0_i32_1 = arith.constant 0 : i32
    return %c0_i32, %c0_i32_0 : i32, i32
  }
  func.func @transform_4(%arg0: i32) -> (i32, i32) {
    %c0_i32 = arith.constant 0 : i32
    %c0_i32_0 = arith.constant 0 : i32
    %c0_i32_1 = arith.constant 0 : i32
    return %c0_i32, %c0_i32_0 : i32, i32
  }
  func.func @transform_5(%arg0: i32) -> (i32, i32) {
    %c0_i32 = arith.constant 0 : i32
    %c0_i32_0 = arith.constant 0 : i32
    %c0_i32_1 = arith.constant 0 : i32
    return %c0_i32, %c0_i32_0 : i32, i32
  }
  func.func @transform_6(%arg0: i32) -> (i32, i32) {
    %c0_i32 = arith.constant 0 : i32
    %c0_i32_0 = arith.constant 0 : i32
    %c0_i32_1 = arith.constant 0 : i32
    return %c0_i32, %c0_i32_0 : i32, i32
  }
  func.func @transform_7(%arg0: i32) -> (i32, i32) {
    %c0_i32 = arith.constant 0 : i32
    %c0_i32_0 = arith.constant 0 : i32
    %c0_i32_1 = arith.constant 0 : i32
    return %c0_i32, %c0_i32_0 : i32, i32
  }
}

</mosaic_0001>

<sc_bundles>
// kernel: kernel.5.cloned.1.call-start
scs
__scs_entry_jumppad:
0x0: {  	(pc) =	sbr.rel $0x88, $3  }
0x1: {  	(tag) =	ssettag $0x0;
	lr =	simm.s32 $0x1  }
0x2: {  	[smem:$0x3F9A] =	sst lr;
	_ =	strace $0xD0000000  }
0x3: {  	_ = 	snop  }
0x4: {  	_ = 	snop  }
0x5: {  	_ = 	snop  }
0x6: {  	_ = 	snop  }
0x7: {  	_ = 	snop  }
__scs_overlays_trampoline_lowered:
0x8: {  	[smem:$0x3FA9] =	sst s0  }
0x9: {  	[smem:$0x3FAA] =	sst s1  }
0xa: {  	[smem:$0x3FAB] =	sst s2  }
0xb: {  	[smem:$0x3FAC] =	sst s3  }
0xc: {  	[smem:$0x3FAD] =	sst s4  }
0xd: {  	[smem:$0x3FAE] =	sst s5  }
0xe: {  	[smem:$0x3FAF] =	sst s6  }
0xf: {  	[smem:$0x3FB0] =	sst s7  }
0x10: {  	[smem:$0x3FB1] =	sst s8  }
0x11: {  	[smem:$0x3FB2] =	sst s9;
	s0 =	simm.s32 @!p0 $0x0  }
0x12: {  	s1 =	sld [smem:$0x3F98];
	s0 =	simm.s32 @p0 $0x1  }
0x13: {  	[smem:$0x3FB3] =	sst s0;
	s0 =	simm.s32 @!p1 $0x0  }
0x14: {  	s2 =	sld [smem:$0x3F97];
	s0 =	simm.s32 @p1 $0x1  }
0x15: {  	[smem:$0x3FB4] =	sst s0;
	s0 =	simm.s32 @!p2 $0x0  }
0x16: {  	s3 =	sld [smem:$0x3FDB];
	s0 =	simm.s32 @p2 $0x1  }
0x17: {  	s4 =	simm.s32 $0x1BF5;
	[smem:$0x3FB6] =	sst s0  }
0x18: {  	s0 =	sld [smem:$0x3F99];
	_ =	swait.ge [sflag:s4], $0x0  }
0x19: {  	s7 =	sld [smem:$0x3F9A]  }
0x1a: {  	s8 =	sadd.s32 $0xFFFFE003, lr  }
0x1b: {  	s9 =	sadd.s32 $0xFFFFFEF7, lr;
	s5 =	simm.s32 $0xFFFFFFFF;
	p2 =	slt.u32 s8, $0xFFFFF086  }
0x1c: {  	p1 =	slt.u32 s9, $0xF7A;
	s5 =	simm.s32 @!p2 $0x0  }
0x1d: {  	s5 =	simm.s32 @p1 $0x1;
	p0 =	seq.s32 s7, s2  }
0x1e: {  	s7 =	smul.u32 @!p0 $0xF7A, s2;
	p2 =	seq.s32 @!p0 s5, $0x0  }
0x1f: {  	s9 =	smul.u32 $0xF7A, s1;
	s8 =	simm.s32 @!p0 $0x1BF5;
	p2 =	por !p2, p0  }
0x20: {  	[sflag:s8] =	ssyncset.s32 @!p0 $0xFFFFF086;
	s6 =	sadd.s32 @!p0 s3, s7;
	s7 =	simm.s32 @!p0 $0x108  }
0x21: {  	s3 =	sadd.s32 s3, s9;
	s6 =	sadd.s32 @!p0 $0x88, s6;
	s7 =	simm.s32 @p2 $0x1082  }
0x22: {  	[simem:s7], [sflag:s8] =	dma.local @!p0 [hbm:s6], $0xF7A  }
0x23: {  	s9 =	sor.u32 $0xD0000000, s2;
	s6 =	simm.s32 $0x108;
	_ =	swait.ge @!p0 [sflag:s8], $0x0  }
0x24: {  	s3 =	sadd.s32 $0x88, s3;
	s6 =	simm.s32 @!p1 $0x1082;
	[sflag:s4] =	ssyncset.s32 $0xFFFFF086  }
0x25: {  	[simem:s6], [sflag:s4] =	dma.local [hbm:s3], $0xF7A  }
0x26: {  	[smem:$0x3F9A] =	sst s1;
	(tag) =	ssettag s2;
	_ =	strace s9  }
0x27: {  	s1 =	sld [smem:$0x3FAA]  }
0x28: {  	s2 =	sld [smem:$0x3FAB]  }
0x29: {  	s4 =	sld [smem:$0x3FAD]  }
0x2a: {  	p0 =	seq.s32 s5, $0x0;
	s5 =	sld [smem:$0x3FAE]  }
0x2b: {  	s6 =	sld [smem:$0x3FAF]  }
0x2c: {  	s7 =	sld [smem:$0x3FB0]  }
0x2d: {  	s3 =	simm.s32 $0x108;
	s8 =	sld [smem:$0x3FB1]  }
0x2e: {  	s3 =	simm.s32 @!p0 $0x1082;
	s9 =	sld [smem:$0x3FB2]  }
0x2f: {  	lr =	sadd.s32 s0, s3;
	s0 =	sld [smem:$0x3FA9]  }
0x30: {  	s3 =	sld [smem:$0x3FAC]  }
0x31: {  	[smem:$0x3FB5] =	sst s10  }
0x32: {  	s10 =	sld [smem:$0x3FB3];
	_ =	sdelay $0x3  }
0x33: {  	p0 =	seq.s32 s10, $0x1;
	s10 =	sld [smem:$0x3FB5];
	_ =	sdelay $0x3  }
0x34: {  	[smem:$0x3FB5] =	sst s10  }
0x35: {  	s10 =	sld [smem:$0x3FB4];
	_ =	sdelay $0x3  }
0x36: {  	p1 =	seq.s32 s10, $0x1;
	s10 =	sld [smem:$0x3FB5];
	_ =	sdelay $0x3  }
0x37: {  	[smem:$0x3FB5] =	sst s10  }
0x38: {  	s10 =	sld [smem:$0x3FB6]  }
0x39: {  	_ = 	snop;
	(pc) =	sbr.ind lr, $3  }
0x3a: {  	_ = 	snop  }
0x3b: {  	_ = 	snop  }
0x3c: {  	p2 =	seq.s32 s10, $0x1;
	s10 =	sld [smem:$0x3FB5]  }
0x3d: {  	_ =	shalt  }
0x3e: {  	_ =	shalt  }
0x3f: {  	_ =	shalt  }
0x40: {  	_ =	shalt  }
0x41: {  	_ =	shalt  }
0x42: {  	_ =	shalt  }
0x43: {  	_ =	shalt  }
0x44: {  	_ =	shalt  }
0x45: {  	_ =	shalt  }
0x46: {  	_ =	shalt  }
0x47: {  	_ =	shalt  }
0x48: {  	_ =	shalt  }
0x49: {  	_ =	shalt  }
0x4a: {  	_ =	shalt  }
0x4b: {  	_ =	shalt  }
0x4c: {  	_ =	shalt  }
0x4d: {  	_ =	shalt  }
0x4e: {  	_ =	shalt  }
0x4f: {  	_ =	shalt  }
0x50: {  	_ =	shalt  }
0x51: {  	_ =	shalt  }
0x52: {  	_ =	shalt  }
0x53: {  	_ =	shalt  }
0x54: {  	_ =	shalt  }
0x55: {  	_ =	shalt  }
0x56: {  	_ =	shalt  }
0x57: {  	_ =	shalt  }
0x58: {  	_ =	shalt  }
0x59: {  	_ =	shalt  }
0x5a: {  	_ =	shalt  }
0x5b: {  	_ =	shalt  }
0x5c: {  	_ =	shalt  }
0x5d: {  	_ =	shalt  }
0x5e: {  	_ =	shalt  }
0x5f: {  	_ =	shalt  }
0x60: {  	_ =	shalt  }
0x61: {  	_ =	shalt  }
0x62: {  	_ =	shalt  }
0x63: {  	_ =	shalt  }
0x64: {  	_ =	shalt  }
0x65: {  	_ =	shalt  }
0x66: {  	_ =	shalt  }
0x67: {  	_ =	shalt  }
0x68: {  	_ =	shalt  }
0x69: {  	_ =	shalt  }
0x6a: {  	_ =	shalt  }
0x6b: {  	_ =	shalt  }
0x6c: {  	_ =	shalt  }
0x6d: {  	_ =	shalt  }
0x6e: {  	_ =	shalt  }
0x6f: {  	_ =	shalt  }
0x70: {  	_ =	shalt  }
0x71: {  	_ =	shalt  }
0x72: {  	_ =	shalt  }
0x73: {  	_ =	shalt  }
0x74: {  	_ =	shalt  }
0x75: {  	_ =	shalt  }
0x76: {  	_ =	shalt  }
0x77: {  	_ =	shalt  }
0x78: {  	_ =	shalt  }
0x79: {  	_ =	shalt  }
0x7a: {  	_ =	shalt  }
0x7b: {  	_ =	shalt  }
0x7c: {  	_ =	shalt  }
0x7d: {  	_ =	shalt  }
0x7e: {  	_ =	shalt  }
0x7f: {  	_ =	shalt  }
0x80: {  	_ =	shalt  }
0x81: {  	_ =	shalt  }
0x82: {  	_ =	shalt  }
0x83: {  	_ =	shalt  }
0x84: {  	_ =	shalt  }
0x85: {  	_ =	shalt  }
0x86: {  	_ =	shalt  }
0x87: {  	_ =	shalt  }
.Lfunc_end0:
.L_simem_size_0:
called_computation_lowered:
.L_overlay_start_0:
0x88: {  	s2 =	sld [smem:$0x3FD9]  }
0x89: {  	s3 =	sld [smem:$0x3FFE];
	_ =	sdelay $0x1  }
0x8a: {  	s1 =	srdreg.scid  }
0x8b: {  	s0 =	sand.u32 $0x1, s1  }
0x8c: {  	s17 =	sshll.u32 s0, $0xA;
	s2 =	sadd.s32 s3, s2  }
0x8d: {  	s2 =	sadd.s32 s2, s17  }
0x8e: {  	[smem:$0x3FC1] =	sst s2  }
0x8f: {  	_ = 	snop  }
0x90: {  	s2 =	sld [smem:$0x3FC8];
	(tm) =	ssettm $0x1  }
0x91: {  	s18 =	sld [smem:$0x3FFB];
	_ =	sdelay $0x3  }
0x92: {  	_ =	strace s18  }
0x93: {  	s3 =	sld [smem:$0x3FFC];
	_ =	sdelay $0x3  }
0x94: {  	_ =	strace s3  }
0x95: {  	s3 =	sld [smem:$0x3FFD];
	_ =	sdelay $0x3  }
0x96: {  	_ =	strace s3  }
0x97: {  	_ =	strace $0x8FFFFFFF  }
0x98: {  	s19 =	sld [smem:$0x3FDB];
	_ =	sdelay $0x1  }
0x99: {  	s4 =	simm.s32 $_scs_section_size  }
0x9a: {  	s5 =	simm.s32 $_size__tile_overlayer_lowered;
	s6 =	simm.s32 $_tile_overlayer_lowered  }
0x9b: {  	s22 =	simm.s32 $0x1BFF;
	s21 =	sshll.u32 s6, $0x1;
	s3 =	sadd.s32 s4, s19  }
0x9c: {  	s7 =	simm.s32 $0x0;
	s20 =	sshll.u32 s5, $0x1;
	s5 =	sadd.s32 s21, s3  }
0x9d: {  	[timem:s7], [sflag:s22] =	dma.local [hbm:s5], s20  }
0x9e: {  	_ =	swait.ge [sflag:s22], s20  }
0x9f: {  	s4 =	ssub.s32 $0x0, s20;
	[sflag:s22] =	ssyncset.done $0x0  }
0xa0: {  	[sflag:s22] =	ssyncadd.s32 s4;
	_ =	sdelay $0x1  }
0xa1: {  	s23 =	simm.s32 $0x1B8B  }
0xa2: {  	_ =	swait.ge [sflag:s23], $0x1  }
0xa3: {  	[sflag:s23] =	ssyncset.done $0x0  }
0xa4: {  	s25 =	simm.s32 $0x1B8E;
	s24 =	sld [smem:$0x3FFE];
	[sflag:s23] =	ssyncadd.s32 $0xFFFFFFFF  }
0xa5: {  	s26 =	simm.s32 $execute0_lowered;
	[smem:$0x3FD2] =	sst s25  }
0xa6: {  	s5 =	sshll.u32 s26, $0x1;
	_ =	strace $0x80000046;
	[dreg:$0x1] =	wrdreg $0xFFFFFFFF  }
0xa7: {  	s28 =	simm.s32 $_size_execute0_lowered;
	s3 =	sadd.s32 s3, s5;
	[dreg:$0x0] =	wrdreg $0x0  }
0xa8: {  	s5 =	sshll.u32 s28, $0x1;
	[dreg:$0x2] =	wrdreg s3  }
0xa9: {  	[dreg:$0x3] =	wrdreg s5  }
0xaa: {  	[dreg:$0x4] =	wrdreg $0xC0  }
0xab: {  	_ =	task [dreg:s7], $0x5FFFF  }
0xac: {  	[dreg:$0x1] =	wrdreg $0xFFFFFFFF  }
0xad: {  	[dreg:$0x0] =	wrdreg $0x60  }
0xae: {  	[dreg:$0x2] =	wrdreg s24  }
0xaf: {  	[dreg:$0x3] =	wrdreg s2  }
0xb0: {  	[dreg:$0x4] =	wrdreg $0xDF000  }
0xb1: {  	[dreg:$0x5] =	wrdreg $0x107000  }
0xb2: {  	[dreg:$0x6] =	wrdreg $0x9  }
0xb3: {  	_ =	task.clear_ibuf [dreg:s7], $0x7FFFF;
	_ =	strace $0x90000046  }
0xb4: {  	s29 =	simm.s32 $0x9;
	_ =	strace $0x80000048  }
0xb5: {  	_ =	swait.ge [sflag:s29], $0x1  }
0xb6: {  	[sflag:s29] =	ssyncadd.s32 $0xFFFFFFFF  }
0xb7: {  	_ =	strace $0x90000048  }
0xb8: {  	_ =	sfence  }
0xb9: {  	s30 =	sld [smem:$0x0];
	_ =	sdelay $0x2  }
0xba: {  	s31 =	sshll.u32 s1, $0xD;
	s1 =	sshrl.u32 s1, $0x2  }
0xbb: {  	s3 =	sand.u32 $0x4000, s31;
	s1 =	sadd.s32 s1, s30  }
0xbc: {  	s0 =	sor.u32 s3, s0;
	s1 =	sshll.u32 s1, $0x11  }
0xbd: {  	s0 =	sor.u32 s1, s0  }
0xbe: {  	s0 =	sadd.s32 $0x8F2B, s0  }
0xbf: {  	[sflag:s0] =	ssyncadd.remote.s32 $0x1  }
0xc0: {  	_ =	sfence.sel $0xFFFF  }
0xc1: {  	[dreg:$0x0] =	wrdreg $0xFFFFFFFF;
	(pc) =	sbr.abs _section_cstart, $3  }
0xc2: {  	[dreg:$0x1] =	wrdreg $0xFFFFFFFF  }
0xc3: {  	_ =	task.clear_ibuf [dreg:s7], $0x2FFFF;
	_ =	strace $0x9FFFFFFF  }
0xc4: {  	(tm) =	ssettm $0x7FFFFFFF  }
0xc5: {  	_ =	shalt  }
tec
execute0_lowered:
.L_overlay_start_1:
0x0: {  	(tag) =	ssettag $0x1  }
0x1: {  	s0 =	rddreg [dreg:$0x0]  }
0x2: {  	s1 =	rddreg [dreg:$0x1]  }
0x3: {  	s2 =	rddreg [dreg:$0x2]  }
0x4: {  	s3 =	rddreg [dreg:$0x3]  }
0x5: {  	s9 =	stileid.u32;
	s4 =	srdreg.scid;
	s6 =	simm.s32 $0x0  }
0x6: {  	s12 =	simm.s32 $0x1B;
	s15 =	simm.s32 $0x80;
	s16 =	simm.s32 $0x4F00  }
0x7: {  	s28 =	simm.s32 $0x1;
	s29 =	simm.s32 $0x8700;
	s30 =	simm.s32 $0x3  }
0x8: {  	s31 =	simm.s32 $0x9700;
	s11 =	simm.s32 $0x7F00;
	s17 =	simm.s32 $0xAF00  }
0x9: {  	s18 =	simm.s32 $0x8;
	s5 =	smul.u32 $0x2800, s9;
	s4 =	sand.u32 $0x1, s4  }
0xa: {  	[smem:$0x7FF] =	sst s6;
	s20 =	sshll.u32 s9, $0x1;
	s25 =	sshll.u32 s9, $0x6  }
0xb: {  	s19 =	ssub.s32 $0x2, s4;
	_ =	strace $0x80000047;
	p0 =	seq.s32 s4, $0x1  }
0xc: {  	s7 =	sshrl.u32 s5, $0x3;
	s8 =	sshrl.u32 s19, $0x1;
	s10 =	sadd.s32 s5, s2  }
0xd: {  	s5 =	sadd.s32 s5, s3;
	s0 =	sadd.s32 s7, s0;
	s6 =	ssub.s32 s19, s8  }
0xe: {  	s7 =	sor.u32 s4, s20;
	s4 =	simm.s32 $0xB800;
	s26 =	sshrl.u32 s5, $0x3  }
0xf: {  	s20 =	simm.s32 $0x5F00;
	s19 =	simm.s32 $0xE;
	s8 =	simm.s32 $0x0  }
0x10: {  	[dreg:$0x5] =	wrdreg s10;
	s21 =	sadd.s32 $0x1800, s0;
	s22 =	smul.u32 $0x9C0, s7  }
0x11: {  	s7 =	sshll.u32 s7, $0x5;
	s4 =	simm.s32 @!p0 $0x6800;
	s24 =	smax.u32 s6, $0x1  }
0x12: {  	p0 =	sgt.u32 s9, $0x1;
	s9 =	sor.u32 $0x1C1B, s25;
	[dreg:$0xc] =	wrdreg s26  }
0x13: {  	s25 =	simm.s32 $0x12;
	s6 =	simm.s32 $0xD;
	[dreg:$0x6] =	wrdreg s21  }
0x14: {  	s7 =	sadd.s32 s7, s1;
	[dreg:$0x9] =	wrdreg s24;
	s0 =	sadd.s32 s4, s0  }
.Ltmp0:
0x15: {  	s24 =	simm.s32 $0x6F00;
	s4 =	simm.s32 $0x7;
	(pc) =	sbr.rel .LBB2_1-.Ltmp0, $4  }
0x16: {  	s21 =	simm.s32 $0xA;
	[dreg:$0xb] =	wrdreg s9;
	s1 =	sadd.s32 s1, s22  }
0x17: {  	s23 =	sadd.s32 $0x13800, s7;
	[dreg:$0xa] =	wrdreg s0;
	s0 =	simm.s32 $0x5  }
0x18: {  	s22 =	simm.s32 $0x10;
	s7 =	simm.s32 $0x13;
	[dreg:$0x7] =	wrdreg s1  }
0x19: {  	v0 =	vimm.f32 $0.0e+00;
	[dreg:$0x8] =	wrdreg s23;
	s1 =	simm.s32 $0xA700;
	s23 =	simm.s32 $0xC  }
.LBB2_6:
0x1a: {  	_ =	swait.ge [sflag:s6], $0x800  }
0x1b: {  	[sflag:s6] =	ssyncset.done $0x0  }
0x1c: {  	[sflag:s6] =	ssyncadd.s32 $0xFFFFF800  }
0x1d: {  	[spmem:s2] =	stream.indirect.scatter.add.f32 [tilespmem:s17], [sflag:$0x1A], $0x10, s5, s15, $0xb8;
	[tilespmem:$0x12F00] =	vst v63  }
0x1e: {  	_ =	swait.ge [sflag:s7], $0x800  }
0x1f: {  	[sflag:s7] =	ssyncset.done $0x0  }
0x20: {  	s12 =	simm.s32 $0x14;
	[sflag:s7] =	ssyncadd.s32 $0xFFFFF800  }
0x21: {  	_ =	swait.ge [sflag:s12], $0x800  }
0x22: {  	[sflag:s12] =	ssyncset.done $0x0  }
0x23: {  	s13 =	simm.s32 $0x15;
	[sflag:s12] =	ssyncadd.s32 $0xFFFFF800  }
0x24: {  	_ =	swait.ge [sflag:s13], $0x800  }
0x25: {  	[sflag:s13] =	ssyncset.done $0x0  }
0x26: {  	s14 =	simm.s32 $0x16;
	[sflag:s13] =	ssyncadd.s32 $0xFFFFF800  }
0x27: {  	_ =	swait.ge [sflag:s14], $0x800  }
0x28: {  	[sflag:s14] =	ssyncset.done $0x0  }
0x29: {  	s26 =	simm.s32 $0x17;
	[sflag:s14] =	ssyncadd.s32 $0xFFFFF800  }
0x2a: {  	_ =	swait.ge [sflag:s26], $0x800  }
0x2b: {  	[sflag:s26] =	ssyncset.done $0x0  }
0x2c: {  	s8 =	simm.s32 $0x18;
	[sflag:s26] =	ssyncadd.s32 $0xFFFFF800  }
0x2d: {  	_ =	swait.ge [sflag:s8], $0x800  }
0x2e: {  	[sflag:s8] =	ssyncset.done $0x0  }
0x2f: {  	s9 =	simm.s32 $0x19;
	[sflag:s8] =	ssyncadd.s32 $0xFFFFF800  }
0x30: {  	_ =	swait.ge [sflag:s9], $0x800  }
0x31: {  	[sflag:s9] =	ssyncset.done $0x0  }
0x32: {  	s10 =	simm.s32 $0x1A;
	[sflag:s9] =	ssyncadd.s32 $0xFFFFF800  }
0x33: {  	_ =	swait.ge [sflag:s10], $0x800  }
0x34: {  	s5 =	simm.s32 @!p0 $0x80;
	[sflag:s10] =	ssyncset.done $0x0  }
0x35: {  	s8 =	simm.s32 @!p0 $0x4E00;
	s9 =	simm.s32 @!p0 $0x4F00;
	[sflag:s10] =	ssyncadd.s32 $0xFFFFF800  }
0x36: {  	[tilespmem:s9], [sflag:$0x1] =	stream.indirect.gather @!p0 [spmem:s3], $0x10, s8, s5, $0xb8;
	[tilespmem:$0x12F00] =	vst v63  }
0x37: {  	s8 =	simm.s32 @!p0 $0x1  }
0x38: {  	_ =	swait.ge @!p0 [sflag:s8], $0x800  }
0x39: {  	[sflag:s8] =	ssyncset.done @!p0 $0x0  }
0x3a: {  	[sflag:s8] =	ssyncadd.s32 @!p0 $0xFFFFF800;
	s8 =	simm.s32 @!p0 $0x4E80  }
0x3b: {  	[spmem:s2] =	stream.indirect.scatter.add.f32 @!p0 [tilespmem:s9], [sflag:$0x1B], $0x10, s8, s5, $0xb8;
	[tilespmem:$0x12F00] =	vst v63  }
0x3c: {  	s5 =	simm.s32 @!p0 $0x1B  }
0x3d: {  	_ =	swait.ge @!p0 [sflag:s5], $0x800  }
0x3e: {  	[sflag:s5] =	ssyncset.done @!p0 $0x0  }
0x3f: {  	[sflag:s5] =	ssyncadd.s32 @!p0 $0xFFFFF800  }
0x40: {  	[bflag:$0x0] =	sbarrier.arrive $0xFFFF  }
0x41: {  	s10 =	rddreg [dreg:$0x5]  }
0x42: {  	s13 =	rddreg [dreg:$0xa]  }
0x43: {  	s9 =	rddreg [dreg:$0xb];
	s12 =	sshrl.u32 s10, $0x3  }
0x44: {  	[hbm:s13], [sflag:s9] =	dma.local [spmem:s12], $0x500  }
0x45: {  	s12 =	simm.s32 $0x1B  }
0x46: {  	_ =	swait.ge [sflag:s12], $0x500  }
0x47: {  	s14 =	rddreg [dreg:$0xd]  }
0x48: {  	s26 =	rddreg [dreg:$0x9];
	s8 =	sadd.s32 $0x1, s14  }
0x49: {  	p1 =	sne.s32 s8, s26  }
.Ltmp1:
0x4a: {  	_ = 	snop;
	(pc) =	sbr.rel @!p1 .LBB2_7-.Ltmp1, $3  }
0x4b: {  	_ =	sdelay $0x1  }
0x4c: {  	[sflag:s12] =	ssyncset.done $0x0  }
0x4d: {  	[sflag:s12] =	ssyncadd.s32 $0xFFFFFB00  }
.LBB2_1:
0x4e: {  	[dreg:$0xd] =	wrdreg s8;
	s5 =	simm.s32 $0x40;
	s8 =	simm.s32 $0x0  }
.LBB2_2:
0x4f: {  	p1 =	sne.s32 s5, $0x9FC0;
	[tilespmem:s8+$0xB700] =	vst v0;
	s8 =	smov.u32 s5;
	s5 =	sadd.s32 $0x40, s5  }
.Ltmp2:
0x50: {  	(pc) =	sbr.rel @p1 .LBB2_2-.Ltmp2, $2  }
0x51: {  	_ =	sdelay $0x2  }
0x52: {  	s8 =	sshra.s32 s8, $0x2  }
0x53: {  	[tilespmem:s8+$0xB700] =	vst v0;
	s5 =	simm.s32 $0xB700  }
0x54: {  	[spmem:s10] =	stream.linear.scatter [tilespmem:s5], [sflag:$0x1B], $0x2800, $0x38;
	[tilespmem:$0x12F00] =	vst v63  }
0x55: {  	_ =	swait.ge [sflag:s12], $0x2800  }
0x56: {  	[sflag:s12] =	ssyncset.done $0x0;
	s14 =	rddreg [dreg:$0x6]  }
0x57: {  	s26 =	rddreg [dreg:$0xc];
	[sflag:s12] =	ssyncadd.s32 $0xFFFFD800  }
0x58: {  	[spmem:s26], [sflag:s9] =	dma.local [hbm:s14], $0x500  }
0x59: {  	_ =	swait.ge [sflag:s12], $0x500  }
0x5a: {  	[sflag:s12] =	ssyncset.done $0x0  }
0x5b: {  	s10 =	simm.s32 $0x0;
	s13 =	rddreg [dreg:$0x7];
	[sflag:s12] =	ssyncadd.s32 $0xFFFFFB00  }
0x5c: {  	[tilespmem:s10], [sflag:$0x1B] =	stream.linear.gather [hbm4b:s13+s10], $0x4E00, $0x38;
	[tilespmem:$0x12F00] =	vst v63  }
0x5d: {  	_ =	swait.ge [sflag:s12], $0x4E00  }
0x5e: {  	s8 =	simm.s32 @!p0 $0x4E00;
	[sflag:s12] =	ssyncset.done $0x0  }
0x5f: {  	s5 =	simm.s32 @!p0 $0x0;
	s9 =	rddreg [dreg:$0x8];
	[sflag:s12] =	ssyncadd.s32 $0xFFFFB200  }
0x60: {  	[tilespmem:s8], [sflag:$0x1B] =	stream.linear.gather @!p0 [hbm4b:s9+s5], $0x100, $0x38;
	[tilespmem:$0x12F00] =	vst v63  }
0x61: {  	s5 =	simm.s32 @!p0 $0x1B  }
0x62: {  	_ =	swait.ge @!p0 [sflag:s5], $0x100  }
0x63: {  	[sflag:s5] =	ssyncset.done @!p0 $0x0  }
0x64: {  	[sflag:s5] =	ssyncadd.s32 @!p0 $0xFFFFFF00  }
0x65: {  	s8 =	simm.s32 $0x0;
	[bflag:$0x0] =	sbarrier.arrive $0xFFFF  }
0x66: {  	[tilespmem:s16], [sflag:$0x1] =	stream.indirect.gather [spmem:s3], $0x10, s8, s15, $0xb8;
	[tilespmem:$0x12F00] =	vst v63  }
0x67: {  	s14 =	simm.s32 $0x100;
	s26 =	simm.s32 $0x5700  }
0x68: {  	[tilespmem:s26], [sflag:$0x2] =	stream.indirect.gather [spmem:s3], $0x10, s14, s15, $0xb8;
	[tilespmem:$0x12F00] =	vst v63  }
0x69: {  	s9 =	simm.s32 $0x200  }
0x6a: {  	[tilespmem:s20], [sflag:$0x3] =	stream.indirect.gather [spmem:s3], $0x10, s9, s15, $0xb8;
	[tilespmem:$0x12F00] =	vst v63  }
0x6b: {  	s10 =	simm.s32 $0x300;
	s12 =	simm.s32 $0x6700  }
0x6c: {  	[tilespmem:s12], [sflag:$0x4] =	stream.indirect.gather [spmem:s3], $0x10, s10, s15, $0xb8;
	[tilespmem:$0x12F00] =	vst v63  }
0x6d: {  	s13 =	simm.s32 $0x400  }
0x6e: {  	[tilespmem:s24], [sflag:$0x5] =	stream.indirect.gather [spmem:s3], $0x10, s13, s15, $0xb8;
	[tilespmem:$0x12F00] =	vst v63  }
0x6f: {  	s14 =	simm.s32 $0x500;
	s26 =	simm.s32 $0x7700  }
0x70: {  	[tilespmem:s26], [sflag:$0x6] =	stream.indirect.gather [spmem:s3], $0x10, s14, s15, $0xb8;
	[tilespmem:$0x12F00] =	vst v63  }
.LBB2_4:
0x71: {  	_ =	swait.ge [sflag:s28], $0x800  }
0x72: {  	s9 =	sshra.s32 s8, $0x2;
	p1 =	seq.s32 s8, $0x0;
	[sflag:s28] =	ssyncset.done $0x0  }
0x73: {  	s5 =	sadd.s32 $0x80, s9;
	s10 =	sshra.s32 @p1 s8, $0x2;
	[sflag:s28] =	ssyncadd.s32 $0xFFFFF800  }
0x74: {  	[spmem:s2] =	stream.indirect.scatter.add.f32 [tilespmem:s16], [sflag:$0xE], $0x10, s5, s15, $0xb8;
	[tilespmem:$0x12F00] =	vst v63  }
0x75: {  	s13 =	simm.s32 @p1 $0x7F00;
	s12 =	sadd.s32 @p1 $0x600, s10;
	s5 =	simm.s32 @p1 $0x80  }
0x76: {  	[tilespmem:s13], [sflag:$0x7] =	stream.indirect.gather @p1 [spmem:s3], $0x10, s12, s5, $0xb8;
	[tilespmem:$0x12F00] =	vst v63  }
0x77: {  	s12 =	simm.s32 @p1 $0x2  }
0x78: {  	_ =	swait.ge @p1 [sflag:s12], $0x800  }
0x79: {  	[sflag:s12] =	ssyncset.done @p1 $0x0  }
0x7a: {  	s13 =	simm.s32 @p1 $0x5700;
	[sflag:s12] =	ssyncadd.s32 @p1 $0xFFFFF800;
	s12 =	sadd.s32 @p1 $0x180, s10  }
0x7b: {  	[spmem:s2] =	stream.indirect.scatter.add.f32 @p1 [tilespmem:s13], [sflag:$0xF], $0x10, s12, s5, $0xb8;
	[tilespmem:$0x12F00] =	vst v63  }
0x7c: {  	s12 =	simm.s32 @!p1 $0x14  }
0x7d: {  	_ =	swait.ge @!p1 [sflag:s12], $0x800  }
0x7e: {  	s26 =	simm.s32 @!p1 $0x7F00;
	s13 =	sshra.s32 @!p1 s8, $0x2;
	[sflag:s12] =	ssyncset.done @!p1 $0x0  }
0x7f: {  	s14 =	sadd.s32 @!p1 $0x600, s13;
	[sflag:s12] =	ssyncadd.s32 @!p1 $0xFFFFF800;
	s12 =	simm.s32 @!p1 $0x80  }
0x80: {  	[tilespmem:s26], [sflag:$0x7] =	stream.indirect.gather @!p1 [spmem:s3], $0x10, s14, s12, $0xb8;
	[tilespmem:$0x12F00] =	vst v63  }
0x81: {  	s14 =	simm.s32 @!p1 $0x2  }
0x82: {  	_ =	swait.ge @!p1 [sflag:s14], $0x800  }
0x83: {  	[sflag:s14] =	ssyncset.done @!p1 $0x0  }
0x84: {  	s26 =	simm.s32 @!p1 $0x5700;
	[sflag:s14] =	ssyncadd.s32 @!p1 $0xFFFFF800;
	s14 =	sadd.s32 @!p1 $0x180, s13  }
0x85: {  	[spmem:s2] =	stream.indirect.scatter.add.f32 @!p1 [tilespmem:s26], [sflag:$0xF], $0x10, s14, s12, $0xb8;
	[tilespmem:$0x12F00] =	vst v63  }
0x86: {  	s14 =	simm.s32 @!p1 $0x15  }
0x87: {  	_ =	swait.ge @!p1 [sflag:s14], $0x800  }
0x88: {  	[sflag:s14] =	ssyncset.done @!p1 $0x0  }
0x89: {  	s26 =	sadd.s32 $0x700, s9;
	[sflag:s14] =	ssyncadd.s32 @!p1 $0xFFFFF800  }
0x8a: {  	[tilespmem:s29], [sflag:$0x8] =	stream.indirect.gather [spmem:s3], $0x10, s26, s15, $0xb8;
	[tilespmem:$0x12F00] =	vst v63  }
0x8b: {  	_ =	swait.ge [sflag:s30], $0x800  }
0x8c: {  	[sflag:s30] =	ssyncset.done $0x0  }
0x8d: {  	s26 =	sadd.s32 $0x280, s9;
	[sflag:s30] =	ssyncadd.s32 $0xFFFFF800  }
0x8e: {  	[spmem:s2] =	stream.indirect.scatter.add.f32 [tilespmem:s20], [sflag:$0x10], $0x10, s26, s15, $0xb8;
	[tilespmem:$0x12F00] =	vst v63  }
0x8f: {  	s14 =	sadd.s32 @p1 $0x800, s10;
	s26 =	simm.s32 @p1 $0x8F00  }
0x90: {  	[tilespmem:s26], [sflag:$0x9] =	stream.indirect.gather @p1 [spmem:s3], $0x10, s14, s5, $0xb8;
	[tilespmem:$0x12F00] =	vst v63  }
0x91: {  	s14 =	simm.s32 @p1 $0x4  }
0x92: {  	_ =	swait.ge @p1 [sflag:s14], $0x800  }
0x93: {  	[sflag:s14] =	ssyncset.done @p1 $0x0  }
0x94: {  	s26 =	simm.s32 @p1 $0x6700;
	[sflag:s14] =	ssyncadd.s32 @p1 $0xFFFFF800;
	s14 =	sadd.s32 @p1 $0x380, s10  }
0x95: {  	[spmem:s2] =	stream.indirect.scatter.add.f32 @p1 [tilespmem:s26], [sflag:$0x11], $0x10, s14, s5, $0xb8;
	[tilespmem:$0x12F00] =	vst v63  }
0x96: {  	s14 =	simm.s32 @!p1 $0x16  }
0x97: {  	_ =	swait.ge @!p1 [sflag:s14], $0x800  }
0x98: {  	[sflag:s14] =	ssyncset.done @!p1 $0x0  }
0x99: {  	s26 =	simm.s32 @!p1 $0x8F00;
	[sflag:s14] =	ssyncadd.s32 @!p1 $0xFFFFF800;
	s14 =	sadd.s32 @!p1 $0x800, s13  }
0x9a: {  	[tilespmem:s26], [sflag:$0x9] =	stream.indirect.gather @!p1 [spmem:s3], $0x10, s14, s12, $0xb8;
	[tilespmem:$0x12F00] =	vst v63  }
0x9b: {  	s14 =	simm.s32 @!p1 $0x4  }
0x9c: {  	_ =	swait.ge @!p1 [sflag:s14], $0x800  }
0x9d: {  	[sflag:s14] =	ssyncset.done @!p1 $0x0  }
0x9e: {  	s26 =	simm.s32 @!p1 $0x6700;
	[sflag:s14] =	ssyncadd.s32 @!p1 $0xFFFFF800;
	s14 =	sadd.s32 @!p1 $0x380, s13  }
0x9f: {  	[spmem:s2] =	stream.indirect.scatter.add.f32 @!p1 [tilespmem:s26], [sflag:$0x11], $0x10, s14, s12, $0xb8;
	[tilespmem:$0x12F00] =	vst v63  }
0xa0: {  	s14 =	simm.s32 @!p1 $0x17  }
0xa1: {  	_ =	swait.ge @!p1 [sflag:s14], $0x800  }
0xa2: {  	[sflag:s14] =	ssyncset.done @!p1 $0x0  }
0xa3: {  	s26 =	sadd.s32 $0x900, s9;
	[sflag:s14] =	ssyncadd.s32 @!p1 $0xFFFFF800  }
0xa4: {  	[tilespmem:s31], [sflag:$0xA] =	stream.indirect.gather [spmem:s3], $0x10, s26, s15, $0xb8;
	[tilespmem:$0x12F00] =	vst v63  }
0xa5: {  	_ =	swait.ge [sflag:s0], $0x800  }
0xa6: {  	[sflag:s0] =	ssyncset.done $0x0  }
0xa7: {  	s26 =	sadd.s32 $0x480, s9;
	[sflag:s0] =	ssyncadd.s32 $0xFFFFF800  }
0xa8: {  	[spmem:s2] =	stream.indirect.scatter.add.f32 [tilespmem:s24], [sflag:$0x12], $0x10, s26, s15, $0xb8;
	[tilespmem:$0x12F00] =	vst v63  }
0xa9: {  	s14 =	sadd.s32 @p1 $0xA00, s10;
	s26 =	simm.s32 @p1 $0x9F00  }
0xaa: {  	[tilespmem:s26], [sflag:$0xB] =	stream.indirect.gather @p1 [spmem:s3], $0x10, s14, s5, $0xb8;
	[tilespmem:$0x12F00] =	vst v63  }
0xab: {  	s14 =	simm.s32 @p1 $0x6  }
0xac: {  	_ =	swait.ge @p1 [sflag:s14], $0x800  }
0xad: {  	[sflag:s14] =	ssyncset.done @p1 $0x0  }
0xae: {  	s10 =	sadd.s32 @p1 $0x580, s10;
	[sflag:s14] =	ssyncadd.s32 @p1 $0xFFFFF800;
	s14 =	simm.s32 @p1 $0x7700  }
0xaf: {  	[spmem:s2] =	stream.indirect.scatter.add.f32 @p1 [tilespmem:s14], [sflag:$0x13], $0x10, s10, s5, $0xb8;
	[tilespmem:$0x12F00] =	vst v63  }
0xb0: {  	s5 =	simm.s32 @!p1 $0x18  }
0xb1: {  	_ =	swait.ge @!p1 [sflag:s5], $0x800  }
0xb2: {  	[sflag:s5] =	ssyncset.done @!p1 $0x0  }
0xb3: {  	s10 =	simm.s32 @!p1 $0x9F00;
	[sflag:s5] =	ssyncadd.s32 @!p1 $0xFFFFF800;
	s5 =	sadd.s32 @!p1 $0xA00, s13  }
0xb4: {  	[tilespmem:s10], [sflag:$0xB] =	stream.indirect.gather @!p1 [spmem:s3], $0x10, s5, s12, $0xb8;
	[tilespmem:$0x12F00] =	vst v63  }
0xb5: {  	s5 =	simm.s32 @!p1 $0x6  }
0xb6: {  	_ =	swait.ge @!p1 [sflag:s5], $0x800  }
0xb7: {  	[sflag:s5] =	ssyncset.done @!p1 $0x0  }
0xb8: {  	s10 =	simm.s32 @!p1 $0x7700;
	[sflag:s5] =	ssyncadd.s32 @!p1 $0xFFFFF800;
	s5 =	sadd.s32 @!p1 $0x580, s13  }
0xb9: {  	[spmem:s2] =	stream.indirect.scatter.add.f32 @!p1 [tilespmem:s10], [sflag:$0x13], $0x10, s5, s12, $0xb8;
	[tilespmem:$0x12F00] =	vst v63  }
0xba: {  	s5 =	simm.s32 @!p1 $0x19  }
0xbb: {  	_ =	swait.ge @!p1 [sflag:s5], $0x800  }
0xbc: {  	[sflag:s5] =	ssyncset.done @!p1 $0x0  }
0xbd: {  	s10 =	sadd.s32 $0xB00, s9;
	[sflag:s5] =	ssyncadd.s32 @!p1 $0xFFFFF800  }
0xbe: {  	[tilespmem:s1], [sflag:$0xC] =	stream.indirect.gather [spmem:s3], $0x10, s10, s15, $0xb8;
	[tilespmem:$0x12F00] =	vst v63  }
0xbf: {  	_ =	swait.ge [sflag:s4], $0x800  }
0xc0: {  	[sflag:s4] =	ssyncset.done $0x0  }
0xc1: {  	s12 =	sadd.s32 $0x680, s9;
	s5 =	simm.s32 @!p1 $0x1A;
	[sflag:s4] =	ssyncadd.s32 $0xFFFFF800  }
0xc2: {  	[spmem:s2] =	stream.indirect.scatter.add.f32 [tilespmem:s11], [sflag:$0x14], $0x10, s12, s15, $0xb8;
	[tilespmem:$0x12F00] =	vst v63  }
0xc3: {  	_ =	swait.ge @!p1 [sflag:s5], $0x800  }
0xc4: {  	[sflag:s5] =	ssyncset.done @!p1 $0x0  }
0xc5: {  	s13 =	sadd.s32 $0xC00, s9;
	[sflag:s5] =	ssyncadd.s32 @!p1 $0xFFFFF800  }
0xc6: {  	[tilespmem:s17], [sflag:$0xD] =	stream.indirect.gather [spmem:s3], $0x10, s13, s15, $0xb8;
	[tilespmem:$0x12F00] =	vst v63  }
0xc7: {  	_ =	swait.ge [sflag:s18], $0x800  }
0xc8: {  	[sflag:s18] =	ssyncset.done $0x0  }
0xc9: {  	s14 =	sadd.s32 $0x780, s9;
	[sflag:s18] =	ssyncadd.s32 $0xFFFFF800  }
0xca: {  	[spmem:s2] =	stream.indirect.scatter.add.f32 [tilespmem:s29], [sflag:$0x15], $0x10, s14, s15, $0xb8;
	[tilespmem:$0x12F00] =	vst v63  }
0xcb: {  	_ =	swait.ge [sflag:s19], $0x800  }
0xcc: {  	p1 =	seq.s32 s8, $0x10400;
	[sflag:s19] =	ssyncset.done $0x0  }
0xcd: {  	s5 =	simm.s32 @p1 $0x9;
	[sflag:s19] =	ssyncadd.s32 $0xFFFFF800  }
0xce: {  	_ =	swait.ge @p1 [sflag:s5], $0x800  }
0xcf: {  	[sflag:s5] =	ssyncset.done @p1 $0x0  }
0xd0: {  	[sflag:s5] =	ssyncadd.s32 @p1 $0xFFFFF800;
	s5 =	sshra.s32 @p1 s8, $0x2  }
0xd1: {  	s12 =	simm.s32 @p1 $0x80;
	s13 =	simm.s32 @p1 $0x8F00;
	s10 =	sadd.s32 @p1 $0x880, s5  }
0xd2: {  	[spmem:s2] =	stream.indirect.scatter.add.f32 @p1 [tilespmem:s13], [sflag:$0x16], $0x10, s10, s12, $0xb8;
	[tilespmem:$0x12F00] =	vst v63  }
0xd3: {  	s10 =	simm.s32 @p1 $0xF  }
0xd4: {  	_ =	swait.ge @p1 [sflag:s10], $0x800  }
0xd5: {  	[sflag:s10] =	ssyncset.done @p1 $0x0  }
0xd6: {  	[sflag:s10] =	ssyncadd.s32 @p1 $0xFFFFF800;
	s10 =	sshra.s32 @!p1 s8, $0x2  }
0xd7: {  	s26 =	simm.s32 @!p1 $0x4F00;
	s14 =	simm.s32 @!p1 $0x80;
	s13 =	sadd.s32 @!p1 $0xD00, s10  }
0xd8: {  	[tilespmem:s26], [sflag:$0x1] =	stream.indirect.gather @!p1 [spmem:s3], $0x10, s13, s14, $0xb8;
	[tilespmem:$0x12F00] =	vst v63  }
0xd9: {  	s13 =	simm.s32 @!p1 $0x9  }
0xda: {  	_ =	swait.ge @!p1 [sflag:s13], $0x800  }
0xdb: {  	[sflag:s13] =	ssyncset.done @!p1 $0x0  }
0xdc: {  	s26 =	simm.s32 @!p1 $0x8F00;
	[sflag:s13] =	ssyncadd.s32 @!p1 $0xFFFFF800;
	s13 =	sadd.s32 @!p1 $0x880, s10  }
0xdd: {  	[spmem:s2] =	stream.indirect.scatter.add.f32 @!p1 [tilespmem:s26], [sflag:$0x16], $0x10, s13, s14, $0xb8;
	[tilespmem:$0x12F00] =	vst v63  }
0xde: {  	s13 =	simm.s32 @!p1 $0xF  }
0xdf: {  	_ =	swait.ge @!p1 [sflag:s13], $0x800  }
0xe0: {  	[sflag:s13] =	ssyncset.done @!p1 $0x0  }
0xe1: {  	s26 =	simm.s32 @!p1 $0x5700;
	[sflag:s13] =	ssyncadd.s32 @!p1 $0xFFFFF800;
	s13 =	sadd.s32 @!p1 $0xE00, s10  }
0xe2: {  	[tilespmem:s26], [sflag:$0x2] =	stream.indirect.gather @!p1 [spmem:s3], $0x10, s13, s14, $0xb8;
	[tilespmem:$0x12F00] =	vst v63  }
0xe3: {  	_ =	swait.ge [sflag:s21], $0x800  }
0xe4: {  	[sflag:s21] =	ssyncset.done $0x0  }
0xe5: {  	s26 =	sadd.s32 $0x980, s9;
	[sflag:s21] =	ssyncadd.s32 $0xFFFFF800  }
0xe6: {  	[spmem:s2] =	stream.indirect.scatter.add.f32 [tilespmem:s31], [sflag:$0x17], $0x10, s26, s15, $0xb8;
	[tilespmem:$0x12F00] =	vst v63  }
0xe7: {  	_ =	swait.ge [sflag:s22], $0x800  }
0xe8: {  	[sflag:s22] =	ssyncset.done $0x0  }
0xe9: {  	s13 =	simm.s32 @p1 $0xB;
	[sflag:s22] =	ssyncadd.s32 $0xFFFFF800  }
0xea: {  	_ =	swait.ge @p1 [sflag:s13], $0x800  }
0xeb: {  	[sflag:s13] =	ssyncset.done @p1 $0x0  }
0xec: {  	s5 =	sadd.s32 @p1 $0xA80, s5;
	[sflag:s13] =	ssyncadd.s32 @p1 $0xFFFFF800;
	s13 =	simm.s32 @p1 $0x9F00  }
0xed: {  	[spmem:s2] =	stream.indirect.scatter.add.f32 @p1 [tilespmem:s13], [sflag:$0x18], $0x10, s5, s12, $0xb8;
	[tilespmem:$0x12F00] =	vst v63  }
0xee: {  	s5 =	simm.s32 @p1 $0x11  }
0xef: {  	_ =	swait.ge @p1 [sflag:s5], $0x800  }
0xf0: {  	[sflag:s5] =	ssyncset.done @p1 $0x0  }
0xf1: {  	s12 =	simm.s32 @!p1 $0x5F00;
	[sflag:s5] =	ssyncadd.s32 @p1 $0xFFFFF800;
	s5 =	sadd.s32 @!p1 $0xF00, s10  }
0xf2: {  	[tilespmem:s12], [sflag:$0x3] =	stream.indirect.gather @!p1 [spmem:s3], $0x10, s5, s14, $0xb8;
	[tilespmem:$0x12F00] =	vst v63  }
0xf3: {  	s5 =	simm.s32 @!p1 $0xB  }
0xf4: {  	_ =	swait.ge @!p1 [sflag:s5], $0x800  }
0xf5: {  	[sflag:s5] =	ssyncset.done @!p1 $0x0  }
0xf6: {  	s12 =	simm.s32 @!p1 $0x9F00;
	[sflag:s5] =	ssyncadd.s32 @!p1 $0xFFFFF800;
	s5 =	sadd.s32 @!p1 $0xA80, s10  }
0xf7: {  	[spmem:s2] =	stream.indirect.scatter.add.f32 @!p1 [tilespmem:s12], [sflag:$0x18], $0x10, s5, s14, $0xb8;
	[tilespmem:$0x12F00] =	vst v63  }
0xf8: {  	s5 =	simm.s32 @!p1 $0x11  }
0xf9: {  	_ =	swait.ge @!p1 [sflag:s5], $0x800  }
0xfa: {  	[sflag:s5] =	ssyncset.done @!p1 $0x0  }
0xfb: {  	[sflag:s5] =	ssyncadd.s32 @!p1 $0xFFFFF800;
	s5 =	sadd.s32 @!p1 $0x1000, s10;
	s10 =	simm.s32 @!p1 $0x6700  }
0xfc: {  	[tilespmem:s10], [sflag:$0x4] =	stream.indirect.gather @!p1 [spmem:s3], $0x10, s5, s14, $0xb8;
	[tilespmem:$0x12F00] =	vst v63  }
0xfd: {  	_ =	swait.ge [sflag:s23], $0x800  }
0xfe: {  	[sflag:s23] =	ssyncset.done $0x0  }
.Ltmp3:
0xff: {  	s26 =	sadd.s32 $0xB80, s9;
	[sflag:s23] =	ssyncadd.s32 $0xFFFFF800;
	(pc) =	sbr.rel @p1 .LBB2_6-.Ltmp3, $4  }
0x100: {  	[spmem:s2] =	stream.indirect.scatter.add.f32 [tilespmem:s1], [sflag:$0x19], $0x10, s26, s15, $0xb8;
	[tilespmem:$0x12F00] =	vst v63  }
0x101: {  	_ =	swait.ge [sflag:s25], $0x800  }
0x102: {  	[sflag:s25] =	ssyncset.done $0x0  }
0x103: {  	s5 =	sadd.s32 $0xC80, s9;
	[sflag:s25] =	ssyncadd.s32 $0xFFFFF800  }
0x104: {  	s10 =	sadd.s32 $0x1100, s9  }
0x105: {  	[tilespmem:s24], [sflag:$0x5] =	stream.indirect.gather [spmem:s3], $0x10, s10, s15, $0xb8;
	[tilespmem:$0x12F00] =	vst v63  }
0x106: {  	_ =	swait.ge [sflag:s6], $0x800  }
0x107: {  	[sflag:s6] =	ssyncset.done $0x0  }
0x108: {  	[sflag:s6] =	ssyncadd.s32 $0xFFFFF800  }
0x109: {  	[spmem:s2] =	stream.indirect.scatter.add.f32 [tilespmem:s17], [sflag:$0x1A], $0x10, s5, s15, $0xb8;
	[tilespmem:$0x12F00] =	vst v63  }
.Ltmp4:
0x10a: {  	_ = 	snop;
	(pc) =	sbr.rel .LBB2_4-.Ltmp4, $4  }
0x10b: {  	_ =	swait.ge [sflag:s7], $0x800  }
0x10c: {  	s14 =	sadd.s32 $0x1200, s9;
	[sflag:s7] =	ssyncset.done $0x0  }
0x10d: {  	s26 =	simm.s32 $0x7700;
	s8 =	sadd.s32 $0x3400, s8;
	[sflag:s7] =	ssyncadd.s32 $0xFFFFF800  }
0x10e: {  	[tilespmem:s26], [sflag:$0x6] =	stream.indirect.gather [spmem:s3], $0x10, s14, s15, $0xb8;
	[tilespmem:$0x12F00] =	vst v63  }
.LBB2_7:
0x10f: {  	_ =	sfence.sel $0x180000  }
0x110: {  	[bflag:$0x0] =	sbarrier.arrive $0xFFFF  }
0x111: {  	_ =	strace $0x90000047  }
0x112: {  	s0 =	stileid.u32;
	[bflag:$0x2] =	sbarrier.arrive $0xFFFF  }
0x113: {  	p0 =	sne.s32 s0, $0x0;
	s0 =	rddreg [dreg:$0x4]  }
0x114: {  	s0 =	sadd.s32 @!p0 $0x100000, s0  }
0x115: {  	[sflag:s0] =	ssyncadd.tile.s32 @!p0 $0x1;
	_ =	shalt  }
.Lfunc_end2:
_tile_overlayer_lowered:
.L_overlay_start_2:
0x116: {  	(tag) =	ssettag $0x2  }
0x117: {  	s0 =	rddreg [dreg:$0x0];
	s2 =	stileid.u32  }
0x118: {  	s1 =	rddreg [dreg:$0x1];
	p0 =	sne.s32 s2, $0x0  }
0x119: {  	s3 =	rddreg [dreg:$0x2];
	[bflag:$0x3] =	sbarrier.arrive $0xFFFF;
	s2 =	simm.s32 @!p0 $0x1C1B  }
0x11a: {  	[timem:s3], [sflag:s2] =	dma.local @!p0 [hbm:s0], s1  }
0x11b: {  	s0 =	simm.s32 @!p0 $0x1B  }
0x11c: {  	_ =	swait.ge @!p0 [sflag:s0], s1  }
0x11d: {  	s1 =	ssub.s32 @!p0 $0x0, s1;
	[sflag:s0] =	ssyncset.done @!p0 $0x0  }
0x11e: {  	[sflag:s0] =	ssyncadd.s32 @!p0 s1  }
0x11f: {  	[bflag:$0x3] =	sbarrier.arrive $0xFFFF  }
0x120: {  	_ =	shalt  }

</sc_bundles>
